<compile_context>
chip_gen: v7x
topology: tpu7x:2x2x1
jax: 0.10.2.dev20260603
libtpu: 0.0.44.dev20260713+nightly
codegen_flags: <defaults>
</compile_context>

<pallas_src>
import functools

import jax
import jax.numpy as jnp
from jax import lax
from jax.experimental import pallas as pl
from jax.experimental.pallas import tpu as pltpu
from jax.experimental.pallas import tpu_sc as plsc

D = 128
IW = 64
NBUF = 10
LAG = 5


@functools.lru_cache(maxsize=None)
def _build(V, B):
    info = plsc.get_sparse_core_info()
    NW = info.num_cores * info.num_subcores
    rows_per_w = B // NW
    n = rows_per_w // IW
    assert B % (NW * IW) == 0 and (n - 2 * LAG) % NBUF == 0 and n >= 2 * NBUF

    mesh = plsc.VectorSubcoreMesh(core_axis_name="c", subcore_axis_name="s")

    @functools.partial(
        pl.kernel,
        mesh=mesh,
        out_type=jax.ShapeDtypeStruct((B, D), jnp.float32),
        scratch_types=(
            [pltpu.VMEM((n * IW,), jnp.int32)]
            + [pltpu.VMEM((IW, D), jnp.float32) for _ in range(NBUF)]
            + [pltpu.SemaphoreType.DMA for _ in range(2 * NBUF)]
        ),
    )
    def k(emb_hbm, idx_hbm, out_hbm, idx_all, *bufs):
        rows_v = bufs[:NBUF]
        gsem = bufs[NBUF:2 * NBUF]
        osem = bufs[2 * NBUF:]
        wid = lax.axis_index("s") * info.num_cores + lax.axis_index("c")
        row0 = wid * rows_per_w

        def gather_cp(i, b):
            return pltpu.make_async_copy(
                emb_hbm.at[idx_all.at[pl.ds(i * IW, IW)]], rows_v[b], gsem[b])

        def out_cp(i, b):
            return pltpu.make_async_copy(
                rows_v[b], out_hbm.at[pl.ds(row0 + i * IW, IW)], osem[b])

        pltpu.sync_copy(idx_hbm.at[pl.ds(wid * n * IW, n * IW)], idx_all)

        for j in range(LAG):
            gather_cp(j, j).start()
        for i in range(LAG):
            gather_cp(i, i).wait()
            out_cp(i, i).start()
            gather_cp(i + LAG, i + LAG).start()

        def rnd(q, carry):
            i0 = LAG + q * NBUF
            for u in range(NBUF):
                i = i0 + u
                b = (LAG + u) % NBUF
                bf = u % NBUF
                gather_cp(i, b).wait()
                out_cp(i, b).start()
                out_cp(i + LAG - NBUF, bf).wait()
                gather_cp(i + LAG, bf).start()
            return carry

        lax.fori_loop(0, (n - 2 * LAG) // NBUF, rnd, 0)

        for i in range(n - LAG, n):
            b = i % NBUF
            gather_cp(i, b).wait()
            out_cp(i, b).start()
        for i in range(n - NBUF, n):
            out_cp(i, i % NBUF).wait()

    return k


def kernel(emb, token_id):
    flat = token_id.reshape(-1).astype(jnp.int32)
    return _build(emb.shape[0], flat.shape[0])(emb, flat)

# --- scband reference (transcript-rebuilt; emitter-appended) ---
"""Pipeline reference for scband-token-embedding-87986700026094 (READ-ONLY COPY).

The authoritative reference and input builder live on the scoring server;
editing this copy changes nothing except your own understanding.
"""

import jax, jax.numpy as jnp
import numpy as np

VOCAB = 100000
EMBED_DIM = 128
BATCH = 16384
HIST = 50

def setup_inputs(seed: int = 0) -> dict:
    key = jax.random.key(seed)
    k_emb, k_idx = jax.random.split(key)
    emb = jax.random.normal(k_emb, (VOCAB, EMBED_DIM), dtype=jnp.float32)
    token_id = jax.random.randint(k_idx, (BATCH, HIST), 0, VOCAB, dtype=jnp.int64)
    return {"emb": emb, "token_id": token_id}

def reference(emb, token_id):
    # emb.index_select(0, token_id.view(-1))
    flat = token_id.reshape(-1)
    return jnp.take(emb, flat, axis=0)

if __name__ == "__main__":
    import jax
    _d = setup_inputs()
    print(jax.jit(kernel)(*tuple(_d.values())))

</pallas_src>

<mosaic_0001>
#map = affine_map<(d0, d1) -> (0, 0)>
#map1 = affine_map<(d0, d1) -> (0)>
module attributes {stable_mosaic.version = 14 : i64} {
  func.func @k(%arg0: i32, %arg1: i32, %arg2: memref<100000x128xf32, #tpu.memory_space<hbm>>, %arg3: memref<819200xi32, #tpu.memory_space<hbm>>, %arg4: memref<819200x128xf32, #tpu.memory_space<hbm>>, %arg5: memref<25600xi32, #tpu.memory_space<vmem>>, %arg6: memref<64x128xf32, #tpu.memory_space<vmem>>, %arg7: memref<64x128xf32, #tpu.memory_space<vmem>>, %arg8: memref<64x128xf32, #tpu.memory_space<vmem>>, %arg9: memref<64x128xf32, #tpu.memory_space<vmem>>, %arg10: memref<64x128xf32, #tpu.memory_space<vmem>>, %arg11: memref<64x128xf32, #tpu.memory_space<vmem>>, %arg12: memref<64x128xf32, #tpu.memory_space<vmem>>, %arg13: memref<64x128xf32, #tpu.memory_space<vmem>>, %arg14: memref<64x128xf32, #tpu.memory_space<vmem>>, %arg15: memref<64x128xf32, #tpu.memory_space<vmem>>, %arg16: memref<!tpu.dma_semaphore, #tpu.memory_space<semaphore_mem>>, %arg17: memref<!tpu.dma_semaphore, #tpu.memory_space<semaphore_mem>>, %arg18: memref<!tpu.dma_semaphore, #tpu.memory_space<semaphore_mem>>, %arg19: memref<!tpu.dma_semaphore, #tpu.memory_space<semaphore_mem>>, %arg20: memref<!tpu.dma_semaphore, #tpu.memory_space<semaphore_mem>>, %arg21: memref<!tpu.dma_semaphore, #tpu.memory_space<semaphore_mem>>, %arg22: memref<!tpu.dma_semaphore, #tpu.memory_space<semaphore_mem>>, %arg23: memref<!tpu.dma_semaphore, #tpu.memory_space<semaphore_mem>>, %arg24: memref<!tpu.dma_semaphore, #tpu.memory_space<semaphore_mem>>, %arg25: memref<!tpu.dma_semaphore, #tpu.memory_space<semaphore_mem>>, %arg26: memref<!tpu.dma_semaphore, #tpu.memory_space<semaphore_mem>>, %arg27: memref<!tpu.dma_semaphore, #tpu.memory_space<semaphore_mem>>, %arg28: memref<!tpu.dma_semaphore, #tpu.memory_space<semaphore_mem>>, %arg29: memref<!tpu.dma_semaphore, #tpu.memory_space<semaphore_mem>>, %arg30: memref<!tpu.dma_semaphore, #tpu.memory_space<semaphore_mem>>, %arg31: memref<!tpu.dma_semaphore, #tpu.memory_space<semaphore_mem>>, %arg32: memref<!tpu.dma_semaphore, #tpu.memory_space<semaphore_mem>>, %arg33: memref<!tpu.dma_semaphore, #tpu.memory_space<semaphore_mem>>, %arg34: memref<!tpu.dma_semaphore, #tpu.memory_space<semaphore_mem>>, %arg35: memref<!tpu.dma_semaphore, #tpu.memory_space<semaphore_mem>>) attributes {dimension_semantics = [#tpu.dimension_semantics<core_parallel>, #tpu.dimension_semantics<subcore_parallel>], iteration_bounds = array<i64: 2, 16>, scalar_prefetch = 0 : i64, scratch_operands = 31 : i64, tpu.core_type = #tpu.core_type<sc_vector_subcore>, window_params = [{transform_indices = #map}, {transform_indices = #map1}, {transform_indices = #map}]} {
    %mul3A = arith.constant 2 : i32
    %mul3A_0 = arith.muli %arg1, %mul3A : i32
    %add3A = arith.addi %mul3A_0, %arg0 : i32
    %mul3A_1 = arith.constant 25600 : i32
    %mul3A_2 = arith.muli %add3A, %mul3A_1 : i32
    %mul3A_3 = arith.constant 400 : i32
    %mul3A_4 = arith.muli %add3A, %mul3A_3 : i32
    %mul3A_5 = arith.constant 64 : i32
    %mul3A_6 = arith.muli %mul3A_4, %mul3A_5 : i32
    "tpu.region"() ({
      %run_scoped3A = tpu.sem_alloc : memref<!tpu.dma_semaphore, #tpu.memory_space<semaphore_mem>>
      %dma_start3A_230 = tpu.memref_slice %arg3[%mul3A_6] : memref<819200xi32, #tpu.memory_space<hbm>> -> memref<25600xi32, #tpu.memory_space<hbm>>
      %dma_start3A_231 = tpu.memref_slice %arg3[%mul3A_6] : memref<819200xi32, #tpu.memory_space<hbm>> -> memref<25600xi32, #tpu.memory_space<hbm>>
      tpu.enqueue_dma source(%dma_start3A_231 : memref<25600xi32, #tpu.memory_space<hbm>>) target(%arg5 : memref<25600xi32, #tpu.memory_space<vmem>>) target_semaphore(%run_scoped3A : memref<!tpu.dma_semaphore, #tpu.memory_space<semaphore_mem>>)
      %dma_wait3A_232 = tpu.memref_slice %arg3[%mul3A_6] : memref<819200xi32, #tpu.memory_space<hbm>> -> memref<25600xi32, #tpu.memory_space<hbm>>
      %dma_wait3A_233 = tpu.memref_slice %arg3[%mul3A_6] : memref<819200xi32, #tpu.memory_space<hbm>> -> memref<25600xi32, #tpu.memory_space<hbm>>
      tpu.wait_dma2 semaphore(%run_scoped3A : memref<!tpu.dma_semaphore, #tpu.memory_space<semaphore_mem>>) src(%dma_wait3A_233 : memref<25600xi32, #tpu.memory_space<hbm>>) dst(%arg5 : memref<25600xi32, #tpu.memory_space<vmem>>)
      tpu.yield
    }) : () -> ()
    %dma_start3A = arith.constant 0 : i32
    %dma_start3A_7 = tpu.memref_slice %arg5[%dma_start3A] : memref<25600xi32, #tpu.memory_space<vmem>> -> memref<64xi32, #tpu.memory_space<vmem>>
    %dma_start3A_8 = arith.constant 0 : i32
    %dma_start3A_9 = arith.constant 0 : i32
    %dma_start3A_10 = tpu.memref_slice %arg2[%dma_start3A_8, %dma_start3A_9] : memref<100000x128xf32, #tpu.memory_space<hbm>> -> memref<100000x128xf32, #tpu.memory_space<hbm>>
    tpu.enqueue_indirect_dma source(%dma_start3A_10 : memref<100000x128xf32, #tpu.memory_space<hbm>>) target(%arg6 : memref<64x128xf32, #tpu.memory_space<vmem>>) offsets(%dma_start3A_7 : memref<64xi32, #tpu.memory_space<vmem>>) semaphore(%arg16 : memref<!tpu.dma_semaphore, #tpu.memory_space<semaphore_mem>>)
    %dma_start3A_11 = arith.constant 64 : i32
    %dma_start3A_12 = tpu.memref_slice %arg5[%dma_start3A_11] : memref<25600xi32, #tpu.memory_space<vmem>> -> memref<64xi32, #tpu.memory_space<vmem>>
    %dma_start3A_13 = arith.constant 0 : i32
    %dma_start3A_14 = arith.constant 0 : i32
    %dma_start3A_15 = tpu.memref_slice %arg2[%dma_start3A_13, %dma_start3A_14] : memref<100000x128xf32, #tpu.memory_space<hbm>> -> memref<100000x128xf32, #tpu.memory_space<hbm>>
    tpu.enqueue_indirect_dma source(%dma_start3A_15 : memref<100000x128xf32, #tpu.memory_space<hbm>>) target(%arg7 : memref<64x128xf32, #tpu.memory_space<vmem>>) offsets(%dma_start3A_12 : memref<64xi32, #tpu.memory_space<vmem>>) semaphore(%arg17 : memref<!tpu.dma_semaphore, #tpu.memory_space<semaphore_mem>>)
    %dma_start3A_16 = arith.constant 128 : i32
    %dma_start3A_17 = tpu.memref_slice %arg5[%dma_start3A_16] : memref<25600xi32, #tpu.memory_space<vmem>> -> memref<64xi32, #tpu.memory_space<vmem>>
    %dma_start3A_18 = arith.constant 0 : i32
    %dma_start3A_19 = arith.constant 0 : i32
    %dma_start3A_20 = tpu.memref_slice %arg2[%dma_start3A_18, %dma_start3A_19] : memref<100000x128xf32, #tpu.memory_space<hbm>> -> memref<100000x128xf32, #tpu.memory_space<hbm>>
    tpu.enqueue_indirect_dma source(%dma_start3A_20 : memref<100000x128xf32, #tpu.memory_space<hbm>>) target(%arg8 : memref<64x128xf32, #tpu.memory_space<vmem>>) offsets(%dma_start3A_17 : memref<64xi32, #tpu.memory_space<vmem>>) semaphore(%arg18 : memref<!tpu.dma_semaphore, #tpu.memory_space<semaphore_mem>>)
    %dma_start3A_21 = arith.constant 192 : i32
    %dma_start3A_22 = tpu.memref_slice %arg5[%dma_start3A_21] : memref<25600xi32, #tpu.memory_space<vmem>> -> memref<64xi32, #tpu.memory_space<vmem>>
    %dma_start3A_23 = arith.constant 0 : i32
    %dma_start3A_24 = arith.constant 0 : i32
    %dma_start3A_25 = tpu.memref_slice %arg2[%dma_start3A_23, %dma_start3A_24] : memref<100000x128xf32, #tpu.memory_space<hbm>> -> memref<100000x128xf32, #tpu.memory_space<hbm>>
    tpu.enqueue_indirect_dma source(%dma_start3A_25 : memref<100000x128xf32, #tpu.memory_space<hbm>>) target(%arg9 : memref<64x128xf32, #tpu.memory_space<vmem>>) offsets(%dma_start3A_22 : memref<64xi32, #tpu.memory_space<vmem>>) semaphore(%arg19 : memref<!tpu.dma_semaphore, #tpu.memory_space<semaphore_mem>>)
    %dma_start3A_26 = arith.constant 256 : i32
    %dma_start3A_27 = tpu.memref_slice %arg5[%dma_start3A_26] : memref<25600xi32, #tpu.memory_space<vmem>> -> memref<64xi32, #tpu.memory_space<vmem>>
    %dma_start3A_28 = arith.constant 0 : i32
    %dma_start3A_29 = arith.constant 0 : i32
    %dma_start3A_30 = tpu.memref_slice %arg2[%dma_start3A_28, %dma_start3A_29] : memref<100000x128xf32, #tpu.memory_space<hbm>> -> memref<100000x128xf32, #tpu.memory_space<hbm>>
    tpu.enqueue_indirect_dma source(%dma_start3A_30 : memref<100000x128xf32, #tpu.memory_space<hbm>>) target(%arg10 : memref<64x128xf32, #tpu.memory_space<vmem>>) offsets(%dma_start3A_27 : memref<64xi32, #tpu.memory_space<vmem>>) semaphore(%arg20 : memref<!tpu.dma_semaphore, #tpu.memory_space<semaphore_mem>>)
    %dma_wait3A = arith.constant 0 : i32
    %dma_wait3A_31 = tpu.memref_slice %arg5[%dma_wait3A] : memref<25600xi32, #tpu.memory_space<vmem>> -> memref<64xi32, #tpu.memory_space<vmem>>
    %dma_wait3A_32 = arith.constant 0 : i32
    %dma_wait3A_33 = arith.constant 0 : i32
    %dma_wait3A_34 = tpu.memref_slice %arg2[%dma_wait3A_32, %dma_wait3A_33] : memref<100000x128xf32, #tpu.memory_space<hbm>> -> memref<100000x128xf32, #tpu.memory_space<hbm>>
    tpu.wait_indirect_dma semaphore(%arg16 : memref<!tpu.dma_semaphore, #tpu.memory_space<semaphore_mem>>) src(%dma_wait3A_34 : memref<100000x128xf32, #tpu.memory_space<hbm>>) dst(%arg6 : memref<64x128xf32, #tpu.memory_space<vmem>>)
    %add3A_35 = arith.constant 0 : i32
    %add3A_36 = arith.addi %mul3A_2, %add3A_35 : i32
    %dma_start3A_37 = arith.constant 0 : i32
    %dma_start3A_38 = tpu.memref_slice %arg4[%add3A_36, %dma_start3A_37] : memref<819200x128xf32, #tpu.memory_space<hbm>> -> memref<64x128xf32, #tpu.memory_space<hbm>>
    %dma_start3A_39 = arith.constant 0 : i32
    %dma_start3A_40 = tpu.memref_slice %arg4[%add3A_36, %dma_start3A_39] : memref<819200x128xf32, #tpu.memory_space<hbm>> -> memref<64x128xf32, #tpu.memory_space<hbm>>
    tpu.enqueue_dma source(%arg6 : memref<64x128xf32, #tpu.memory_space<vmem>>) target(%dma_start3A_40 : memref<64x128xf32, #tpu.memory_space<hbm>>) target_semaphore(%arg26 : memref<!tpu.dma_semaphore, #tpu.memory_space<semaphore_mem>>)
    %dma_start3A_41 = arith.constant 320 : i32
    %dma_start3A_42 = tpu.memref_slice %arg5[%dma_start3A_41] : memref<25600xi32, #tpu.memory_space<vmem>> -> memref<64xi32, #tpu.memory_space<vmem>>
    %dma_start3A_43 = arith.constant 0 : i32
    %dma_start3A_44 = arith.constant 0 : i32
    %dma_start3A_45 = tpu.memref_slice %arg2[%dma_start3A_43, %dma_start3A_44] : memref<100000x128xf32, #tpu.memory_space<hbm>> -> memref<100000x128xf32, #tpu.memory_space<hbm>>
    tpu.enqueue_indirect_dma source(%dma_start3A_45 : memref<100000x128xf32, #tpu.memory_space<hbm>>) target(%arg11 : memref<64x128xf32, #tpu.memory_space<vmem>>) offsets(%dma_start3A_42 : memref<64xi32, #tpu.memory_space<vmem>>) semaphore(%arg21 : memref<!tpu.dma_semaphore, #tpu.memory_space<semaphore_mem>>)
    %dma_wait3A_46 = arith.constant 64 : i32
    %dma_wait3A_47 = tpu.memref_slice %arg5[%dma_wait3A_46] : memref<25600xi32, #tpu.memory_space<vmem>> -> memref<64xi32, #tpu.memory_space<vmem>>
    %dma_wait3A_48 = arith.constant 0 : i32
    %dma_wait3A_49 = arith.constant 0 : i32
    %dma_wait3A_50 = tpu.memref_slice %arg2[%dma_wait3A_48, %dma_wait3A_49] : memref<100000x128xf32, #tpu.memory_space<hbm>> -> memref<100000x128xf32, #tpu.memory_space<hbm>>
    tpu.wait_indirect_dma semaphore(%arg17 : memref<!tpu.dma_semaphore, #tpu.memory_space<semaphore_mem>>) src(%dma_wait3A_50 : memref<100000x128xf32, #tpu.memory_space<hbm>>) dst(%arg7 : memref<64x128xf32, #tpu.memory_space<vmem>>)
    %add3A_51 = arith.constant 64 : i32
    %add3A_52 = arith.addi %mul3A_2, %add3A_51 : i32
    %dma_start3A_53 = arith.constant 0 : i32
    %dma_start3A_54 = tpu.memref_slice %arg4[%add3A_52, %dma_start3A_53] : memref<819200x128xf32, #tpu.memory_space<hbm>> -> memref<64x128xf32, #tpu.memory_space<hbm>>
    %dma_start3A_55 = arith.constant 0 : i32
    %dma_start3A_56 = tpu.memref_slice %arg4[%add3A_52, %dma_start3A_55] : memref<819200x128xf32, #tpu.memory_space<hbm>> -> memref<64x128xf32, #tpu.memory_space<hbm>>
    tpu.enqueue_dma source(%arg7 : memref<64x128xf32, #tpu.memory_space<vmem>>) target(%dma_start3A_56 : memref<64x128xf32, #tpu.memory_space<hbm>>) target_semaphore(%arg27 : memref<!tpu.dma_semaphore, #tpu.memory_space<semaphore_mem>>)
    %dma_start3A_57 = arith.constant 384 : i32
    %dma_start3A_58 = tpu.memref_slice %arg5[%dma_start3A_57] : memref<25600xi32, #tpu.memory_space<vmem>> -> memref<64xi32, #tpu.memory_space<vmem>>
    %dma_start3A_59 = arith.constant 0 : i32
    %dma_start3A_60 = arith.constant 0 : i32
    %dma_start3A_61 = tpu.memref_slice %arg2[%dma_start3A_59, %dma_start3A_60] : memref<100000x128xf32, #tpu.memory_space<hbm>> -> memref<100000x128xf32, #tpu.memory_space<hbm>>
    tpu.enqueue_indirect_dma source(%dma_start3A_61 : memref<100000x128xf32, #tpu.memory_space<hbm>>) target(%arg12 : memref<64x128xf32, #tpu.memory_space<vmem>>) offsets(%dma_start3A_58 : memref<64xi32, #tpu.memory_space<vmem>>) semaphore(%arg22 : memref<!tpu.dma_semaphore, #tpu.memory_space<semaphore_mem>>)
    %dma_wait3A_62 = arith.constant 128 : i32
    %dma_wait3A_63 = tpu.memref_slice %arg5[%dma_wait3A_62] : memref<25600xi32, #tpu.memory_space<vmem>> -> memref<64xi32, #tpu.memory_space<vmem>>
    %dma_wait3A_64 = arith.constant 0 : i32
    %dma_wait3A_65 = arith.constant 0 : i32
    %dma_wait3A_66 = tpu.memref_slice %arg2[%dma_wait3A_64, %dma_wait3A_65] : memref<100000x128xf32, #tpu.memory_space<hbm>> -> memref<100000x128xf32, #tpu.memory_space<hbm>>
    tpu.wait_indirect_dma semaphore(%arg18 : memref<!tpu.dma_semaphore, #tpu.memory_space<semaphore_mem>>) src(%dma_wait3A_66 : memref<100000x128xf32, #tpu.memory_space<hbm>>) dst(%arg8 : memref<64x128xf32, #tpu.memory_space<vmem>>)
    %add3A_67 = arith.constant 128 : i32
    %add3A_68 = arith.addi %mul3A_2, %add3A_67 : i32
    %dma_start3A_69 = arith.constant 0 : i32
    %dma_start3A_70 = tpu.memref_slice %arg4[%add3A_68, %dma_start3A_69] : memref<819200x128xf32, #tpu.memory_space<hbm>> -> memref<64x128xf32, #tpu.memory_space<hbm>>
    %dma_start3A_71 = arith.constant 0 : i32
    %dma_start3A_72 = tpu.memref_slice %arg4[%add3A_68, %dma_start3A_71] : memref<819200x128xf32, #tpu.memory_space<hbm>> -> memref<64x128xf32, #tpu.memory_space<hbm>>
    tpu.enqueue_dma source(%arg8 : memref<64x128xf32, #tpu.memory_space<vmem>>) target(%dma_start3A_72 : memref<64x128xf32, #tpu.memory_space<hbm>>) target_semaphore(%arg28 : memref<!tpu.dma_semaphore, #tpu.memory_space<semaphore_mem>>)
    %dma_start3A_73 = arith.constant 448 : i32
    %dma_start3A_74 = tpu.memref_slice %arg5[%dma_start3A_73] : memref<25600xi32, #tpu.memory_space<vmem>> -> memref<64xi32, #tpu.memory_space<vmem>>
    %dma_start3A_75 = arith.constant 0 : i32
    %dma_start3A_76 = arith.constant 0 : i32
    %dma_start3A_77 = tpu.memref_slice %arg2[%dma_start3A_75, %dma_start3A_76] : memref<100000x128xf32, #tpu.memory_space<hbm>> -> memref<100000x128xf32, #tpu.memory_space<hbm>>
    tpu.enqueue_indirect_dma source(%dma_start3A_77 : memref<100000x128xf32, #tpu.memory_space<hbm>>) target(%arg13 : memref<64x128xf32, #tpu.memory_space<vmem>>) offsets(%dma_start3A_74 : memref<64xi32, #tpu.memory_space<vmem>>) semaphore(%arg23 : memref<!tpu.dma_semaphore, #tpu.memory_space<semaphore_mem>>)
    %dma_wait3A_78 = arith.constant 192 : i32
    %dma_wait3A_79 = tpu.memref_slice %arg5[%dma_wait3A_78] : memref<25600xi32, #tpu.memory_space<vmem>> -> memref<64xi32, #tpu.memory_space<vmem>>
    %dma_wait3A_80 = arith.constant 0 : i32
    %dma_wait3A_81 = arith.constant 0 : i32
    %dma_wait3A_82 = tpu.memref_slice %arg2[%dma_wait3A_80, %dma_wait3A_81] : memref<100000x128xf32, #tpu.memory_space<hbm>> -> memref<100000x128xf32, #tpu.memory_space<hbm>>
    tpu.wait_indirect_dma semaphore(%arg19 : memref<!tpu.dma_semaphore, #tpu.memory_space<semaphore_mem>>) src(%dma_wait3A_82 : memref<100000x128xf32, #tpu.memory_space<hbm>>) dst(%arg9 : memref<64x128xf32, #tpu.memory_space<vmem>>)
    %add3A_83 = arith.constant 192 : i32
    %add3A_84 = arith.addi %mul3A_2, %add3A_83 : i32
    %dma_start3A_85 = arith.constant 0 : i32
    %dma_start3A_86 = tpu.memref_slice %arg4[%add3A_84, %dma_start3A_85] : memref<819200x128xf32, #tpu.memory_space<hbm>> -> memref<64x128xf32, #tpu.memory_space<hbm>>
    %dma_start3A_87 = arith.constant 0 : i32
    %dma_start3A_88 = tpu.memref_slice %arg4[%add3A_84, %dma_start3A_87] : memref<819200x128xf32, #tpu.memory_space<hbm>> -> memref<64x128xf32, #tpu.memory_space<hbm>>
    tpu.enqueue_dma source(%arg9 : memref<64x128xf32, #tpu.memory_space<vmem>>) target(%dma_start3A_88 : memref<64x128xf32, #tpu.memory_space<hbm>>) target_semaphore(%arg29 : memref<!tpu.dma_semaphore, #tpu.memory_space<semaphore_mem>>)
    %dma_start3A_89 = arith.constant 512 : i32
    %dma_start3A_90 = tpu.memref_slice %arg5[%dma_start3A_89] : memref<25600xi32, #tpu.memory_space<vmem>> -> memref<64xi32, #tpu.memory_space<vmem>>
    %dma_start3A_91 = arith.constant 0 : i32
    %dma_start3A_92 = arith.constant 0 : i32
    %dma_start3A_93 = tpu.memref_slice %arg2[%dma_start3A_91, %dma_start3A_92] : memref<100000x128xf32, #tpu.memory_space<hbm>> -> memref<100000x128xf32, #tpu.memory_space<hbm>>
    tpu.enqueue_indirect_dma source(%dma_start3A_93 : memref<100000x128xf32, #tpu.memory_space<hbm>>) target(%arg14 : memref<64x128xf32, #tpu.memory_space<vmem>>) offsets(%dma_start3A_90 : memref<64xi32, #tpu.memory_space<vmem>>) semaphore(%arg24 : memref<!tpu.dma_semaphore, #tpu.memory_space<semaphore_mem>>)
    %dma_wait3A_94 = arith.constant 256 : i32
    %dma_wait3A_95 = tpu.memref_slice %arg5[%dma_wait3A_94] : memref<25600xi32, #tpu.memory_space<vmem>> -> memref<64xi32, #tpu.memory_space<vmem>>
    %dma_wait3A_96 = arith.constant 0 : i32
    %dma_wait3A_97 = arith.constant 0 : i32
    %dma_wait3A_98 = tpu.memref_slice %arg2[%dma_wait3A_96, %dma_wait3A_97] : memref<100000x128xf32, #tpu.memory_space<hbm>> -> memref<100000x128xf32, #tpu.memory_space<hbm>>
    tpu.wait_indirect_dma semaphore(%arg20 : memref<!tpu.dma_semaphore, #tpu.memory_space<semaphore_mem>>) src(%dma_wait3A_98 : memref<100000x128xf32, #tpu.memory_space<hbm>>) dst(%arg10 : memref<64x128xf32, #tpu.memory_space<vmem>>)
    %add3A_99 = arith.constant 256 : i32
    %add3A_100 = arith.addi %mul3A_2, %add3A_99 : i32
    %dma_start3A_101 = arith.constant 0 : i32
    %dma_start3A_102 = tpu.memref_slice %arg4[%add3A_100, %dma_start3A_101] : memref<819200x128xf32, #tpu.memory_space<hbm>> -> memref<64x128xf32, #tpu.memory_space<hbm>>
    %dma_start3A_103 = arith.constant 0 : i32
    %dma_start3A_104 = tpu.memref_slice %arg4[%add3A_100, %dma_start3A_103] : memref<819200x128xf32, #tpu.memory_space<hbm>> -> memref<64x128xf32, #tpu.memory_space<hbm>>
    tpu.enqueue_dma source(%arg10 : memref<64x128xf32, #tpu.memory_space<vmem>>) target(%dma_start3A_104 : memref<64x128xf32, #tpu.memory_space<hbm>>) target_semaphore(%arg30 : memref<!tpu.dma_semaphore, #tpu.memory_space<semaphore_mem>>)
    %dma_start3A_105 = arith.constant 576 : i32
    %dma_start3A_106 = tpu.memref_slice %arg5[%dma_start3A_105] : memref<25600xi32, #tpu.memory_space<vmem>> -> memref<64xi32, #tpu.memory_space<vmem>>
    %dma_start3A_107 = arith.constant 0 : i32
    %dma_start3A_108 = arith.constant 0 : i32
    %dma_start3A_109 = tpu.memref_slice %arg2[%dma_start3A_107, %dma_start3A_108] : memref<100000x128xf32, #tpu.memory_space<hbm>> -> memref<100000x128xf32, #tpu.memory_space<hbm>>
    tpu.enqueue_indirect_dma source(%dma_start3A_109 : memref<100000x128xf32, #tpu.memory_space<hbm>>) target(%arg15 : memref<64x128xf32, #tpu.memory_space<vmem>>) offsets(%dma_start3A_106 : memref<64xi32, #tpu.memory_space<vmem>>) semaphore(%arg25 : memref<!tpu.dma_semaphore, #tpu.memory_space<semaphore_mem>>)
    %scan3A = arith.constant 0 : i32
    %scan3A_110 = arith.constant 0 : i32
    %scan3A_111 = arith.constant 39 : i32
    %scan3A_112 = arith.addi %scan3A_110, %scan3A_111 : i32
    %scan3A_113 = arith.constant 1 : i32
    scf.for %scan3A_230 = %scan3A_110 to %scan3A_112 step %scan3A_113  : i32 {
      %mul3A_231 = arith.constant 10 : i32
      %mul3A_232 = arith.muli %scan3A_230, %mul3A_231 : i32
      %add3A_233 = arith.constant 5 : i32
      %add3A_234 = arith.addi %add3A_233, %mul3A_232 : i32
      %add3A_235 = arith.constant 0 : i32
      %add3A_236 = arith.addi %add3A_234, %add3A_235 : i32
      %mul3A_237 = arith.constant 64 : i32
      %mul3A_238 = arith.muli %add3A_236, %mul3A_237 : i32
      %dma_wait3A_239 = tpu.memref_slice %arg5[%mul3A_238] : memref<25600xi32, #tpu.memory_space<vmem>> -> memref<64xi32, #tpu.memory_space<vmem>>
      %dma_wait3A_240 = arith.constant 0 : i32
      %dma_wait3A_241 = arith.constant 0 : i32
      %dma_wait3A_242 = tpu.memref_slice %arg2[%dma_wait3A_240, %dma_wait3A_241] : memref<100000x128xf32, #tpu.memory_space<hbm>> -> memref<100000x128xf32, #tpu.memory_space<hbm>>
      tpu.wait_indirect_dma semaphore(%arg21 : memref<!tpu.dma_semaphore, #tpu.memory_space<semaphore_mem>>) src(%dma_wait3A_242 : memref<100000x128xf32, #tpu.memory_space<hbm>>) dst(%arg11 : memref<64x128xf32, #tpu.memory_space<vmem>>)
      %mul3A_243 = arith.constant 64 : i32
      %mul3A_244 = arith.muli %add3A_236, %mul3A_243 : i32
      %add3A_245 = arith.addi %mul3A_2, %mul3A_244 : i32
      %dma_start3A_246 = arith.constant 0 : i32
      %dma_start3A_247 = tpu.memref_slice %arg4[%add3A_245, %dma_start3A_246] : memref<819200x128xf32, #tpu.memory_space<hbm>> -> memref<64x128xf32, #tpu.memory_space<hbm>>
      %dma_start3A_248 = arith.constant 0 : i32
      %dma_start3A_249 = tpu.memref_slice %arg4[%add3A_245, %dma_start3A_248] : memref<819200x128xf32, #tpu.memory_space<hbm>> -> memref<64x128xf32, #tpu.memory_space<hbm>>
      tpu.enqueue_dma source(%arg11 : memref<64x128xf32, #tpu.memory_space<vmem>>) target(%dma_start3A_249 : memref<64x128xf32, #tpu.memory_space<hbm>>) target_semaphore(%arg31 : memref<!tpu.dma_semaphore, #tpu.memory_space<semaphore_mem>>)
      %add3A_250 = arith.constant 5 : i32
      %add3A_251 = arith.addi %add3A_236, %add3A_250 : i32
      %sub3A = arith.constant 10 : i32
      %sub3A_252 = arith.subi %add3A_251, %sub3A : i32
      %mul3A_253 = arith.constant 64 : i32
      %mul3A_254 = arith.muli %sub3A_252, %mul3A_253 : i32
      %add3A_255 = arith.addi %mul3A_2, %mul3A_254 : i32
      %dma_wait3A_256 = arith.constant 0 : i32
      %dma_wait3A_257 = tpu.memref_slice %arg4[%add3A_255, %dma_wait3A_256] : memref<819200x128xf32, #tpu.memory_space<hbm>> -> memref<64x128xf32, #tpu.memory_space<hbm>>
      %dma_wait3A_258 = arith.constant 0 : i32
      %dma_wait3A_259 = tpu.memref_slice %arg4[%add3A_255, %dma_wait3A_258] : memref<819200x128xf32, #tpu.memory_space<hbm>> -> memref<64x128xf32, #tpu.memory_space<hbm>>
      tpu.wait_dma2 semaphore(%arg26 : memref<!tpu.dma_semaphore, #tpu.memory_space<semaphore_mem>>) src(%arg6 : memref<64x128xf32, #tpu.memory_space<vmem>>) dst(%dma_wait3A_259 : memref<64x128xf32, #tpu.memory_space<hbm>>)
      %add3A_260 = arith.constant 5 : i32
      %add3A_261 = arith.addi %add3A_236, %add3A_260 : i32
      %mul3A_262 = arith.constant 64 : i32
      %mul3A_263 = arith.muli %add3A_261, %mul3A_262 : i32
      %dma_start3A_264 = tpu.memref_slice %arg5[%mul3A_263] : memref<25600xi32, #tpu.memory_space<vmem>> -> memref<64xi32, #tpu.memory_space<vmem>>
      %dma_start3A_265 = arith.constant 0 : i32
      %dma_start3A_266 = arith.constant 0 : i32
      %dma_start3A_267 = tpu.memref_slice %arg2[%dma_start3A_265, %dma_start3A_266] : memref<100000x128xf32, #tpu.memory_space<hbm>> -> memref<100000x128xf32, #tpu.memory_space<hbm>>
      tpu.enqueue_indirect_dma source(%dma_start3A_267 : memref<100000x128xf32, #tpu.memory_space<hbm>>) target(%arg6 : memref<64x128xf32, #tpu.memory_space<vmem>>) offsets(%dma_start3A_264 : memref<64xi32, #tpu.memory_space<vmem>>) semaphore(%arg16 : memref<!tpu.dma_semaphore, #tpu.memory_space<semaphore_mem>>)
      %add3A_268 = arith.constant 1 : i32
      %add3A_269 = arith.addi %add3A_234, %add3A_268 : i32
      %mul3A_270 = arith.constant 64 : i32
      %mul3A_271 = arith.muli %add3A_269, %mul3A_270 : i32
      %dma_wait3A_272 = tpu.memref_slice %arg5[%mul3A_271] : memref<25600xi32, #tpu.memory_space<vmem>> -> memref<64xi32, #tpu.memory_space<vmem>>
      %dma_wait3A_273 = arith.constant 0 : i32
      %dma_wait3A_274 = arith.constant 0 : i32
      %dma_wait3A_275 = tpu.memref_slice %arg2[%dma_wait3A_273, %dma_wait3A_274] : memref<100000x128xf32, #tpu.memory_space<hbm>> -> memref<100000x128xf32, #tpu.memory_space<hbm>>
      tpu.wait_indirect_dma semaphore(%arg22 : memref<!tpu.dma_semaphore, #tpu.memory_space<semaphore_mem>>) src(%dma_wait3A_275 : memref<100000x128xf32, #tpu.memory_space<hbm>>) dst(%arg12 : memref<64x128xf32, #tpu.memory_space<vmem>>)
      %mul3A_276 = arith.constant 64 : i32
      %mul3A_277 = arith.muli %add3A_269, %mul3A_276 : i32
      %add3A_278 = arith.addi %mul3A_2, %mul3A_277 : i32
      %dma_start3A_279 = arith.constant 0 : i32
      %dma_start3A_280 = tpu.memref_slice %arg4[%add3A_278, %dma_start3A_279] : memref<819200x128xf32, #tpu.memory_space<hbm>> -> memref<64x128xf32, #tpu.memory_space<hbm>>
      %dma_start3A_281 = arith.constant 0 : i32
      %dma_start3A_282 = tpu.memref_slice %arg4[%add3A_278, %dma_start3A_281] : memref<819200x128xf32, #tpu.memory_space<hbm>> -> memref<64x128xf32, #tpu.memory_space<hbm>>
      tpu.enqueue_dma source(%arg12 : memref<64x128xf32, #tpu.memory_space<vmem>>) target(%dma_start3A_282 : memref<64x128xf32, #tpu.memory_space<hbm>>) target_semaphore(%arg32 : memref<!tpu.dma_semaphore, #tpu.memory_space<semaphore_mem>>)
      %add3A_283 = arith.constant 5 : i32
      %add3A_284 = arith.addi %add3A_269, %add3A_283 : i32
      %sub3A_285 = arith.constant 10 : i32
      %sub3A_286 = arith.subi %add3A_284, %sub3A_285 : i32
      %mul3A_287 = arith.constant 64 : i32
      %mul3A_288 = arith.muli %sub3A_286, %mul3A_287 : i32
      %add3A_289 = arith.addi %mul3A_2, %mul3A_288 : i32
      %dma_wait3A_290 = arith.constant 0 : i32
      %dma_wait3A_291 = tpu.memref_slice %arg4[%add3A_289, %dma_wait3A_290] : memref<819200x128xf32, #tpu.memory_space<hbm>> -> memref<64x128xf32, #tpu.memory_space<hbm>>
      %dma_wait3A_292 = arith.constant 0 : i32
      %dma_wait3A_293 = tpu.memref_slice %arg4[%add3A_289, %dma_wait3A_292] : memref<819200x128xf32, #tpu.memory_space<hbm>> -> memref<64x128xf32, #tpu.memory_space<hbm>>
      tpu.wait_dma2 semaphore(%arg27 : memref<!tpu.dma_semaphore, #tpu.memory_space<semaphore_mem>>) src(%arg7 : memref<64x128xf32, #tpu.memory_space<vmem>>) dst(%dma_wait3A_293 : memref<64x128xf32, #tpu.memory_space<hbm>>)
      %add3A_294 = arith.constant 5 : i32
      %add3A_295 = arith.addi %add3A_269, %add3A_294 : i32
      %mul3A_296 = arith.constant 64 : i32
      %mul3A_297 = arith.muli %add3A_295, %mul3A_296 : i32
      %dma_start3A_298 = tpu.memref_slice %arg5[%mul3A_297] : memref<25600xi32, #tpu.memory_space<vmem>> -> memref<64xi32, #tpu.memory_space<vmem>>
      %dma_start3A_299 = arith.constant 0 : i32
      %dma_start3A_300 = arith.constant 0 : i32
      %dma_start3A_301 = tpu.memref_slice %arg2[%dma_start3A_299, %dma_start3A_300] : memref<100000x128xf32, #tpu.memory_space<hbm>> -> memref<100000x128xf32, #tpu.memory_space<hbm>>
      tpu.enqueue_indirect_dma source(%dma_start3A_301 : memref<100000x128xf32, #tpu.memory_space<hbm>>) target(%arg7 : memref<64x128xf32, #tpu.memory_space<vmem>>) offsets(%dma_start3A_298 : memref<64xi32, #tpu.memory_space<vmem>>) semaphore(%arg17 : memref<!tpu.dma_semaphore, #tpu.memory_space<semaphore_mem>>)
      %add3A_302 = arith.constant 2 : i32
      %add3A_303 = arith.addi %add3A_234, %add3A_302 : i32
      %mul3A_304 = arith.constant 64 : i32
      %mul3A_305 = arith.muli %add3A_303, %mul3A_304 : i32
      %dma_wait3A_306 = tpu.memref_slice %arg5[%mul3A_305] : memref<25600xi32, #tpu.memory_space<vmem>> -> memref<64xi32, #tpu.memory_space<vmem>>
      %dma_wait3A_307 = arith.constant 0 : i32
      %dma_wait3A_308 = arith.constant 0 : i32
      %dma_wait3A_309 = tpu.memref_slice %arg2[%dma_wait3A_307, %dma_wait3A_308] : memref<100000x128xf32, #tpu.memory_space<hbm>> -> memref<100000x128xf32, #tpu.memory_space<hbm>>
      tpu.wait_indirect_dma semaphore(%arg23 : memref<!tpu.dma_semaphore, #tpu.memory_space<semaphore_mem>>) src(%dma_wait3A_309 : memref<100000x128xf32, #tpu.memory_space<hbm>>) dst(%arg13 : memref<64x128xf32, #tpu.memory_space<vmem>>)
      %mul3A_310 = arith.constant 64 : i32
      %mul3A_311 = arith.muli %add3A_303, %mul3A_310 : i32
      %add3A_312 = arith.addi %mul3A_2, %mul3A_311 : i32
      %dma_start3A_313 = arith.constant 0 : i32
      %dma_start3A_314 = tpu.memref_slice %arg4[%add3A_312, %dma_start3A_313] : memref<819200x128xf32, #tpu.memory_space<hbm>> -> memref<64x128xf32, #tpu.memory_space<hbm>>
      %dma_start3A_315 = arith.constant 0 : i32
      %dma_start3A_316 = tpu.memref_slice %arg4[%add3A_312, %dma_start3A_315] : memref<819200x128xf32, #tpu.memory_space<hbm>> -> memref<64x128xf32, #tpu.memory_space<hbm>>
      tpu.enqueue_dma source(%arg13 : memref<64x128xf32, #tpu.memory_space<vmem>>) target(%dma_start3A_316 : memref<64x128xf32, #tpu.memory_space<hbm>>) target_semaphore(%arg33 : memref<!tpu.dma_semaphore, #tpu.memory_space<semaphore_mem>>)
      %add3A_317 = arith.constant 5 : i32
      %add3A_318 = arith.addi %add3A_303, %add3A_317 : i32
      %sub3A_319 = arith.constant 10 : i32
      %sub3A_320 = arith.subi %add3A_318, %sub3A_319 : i32
      %mul3A_321 = arith.constant 64 : i32
      %mul3A_322 = arith.muli %sub3A_320, %mul3A_321 : i32
      %add3A_323 = arith.addi %mul3A_2, %mul3A_322 : i32
      %dma_wait3A_324 = arith.constant 0 : i32
      %dma_wait3A_325 = tpu.memref_slice %arg4[%add3A_323, %dma_wait3A_324] : memref<819200x128xf32, #tpu.memory_space<hbm>> -> memref<64x128xf32, #tpu.memory_space<hbm>>
      %dma_wait3A_326 = arith.constant 0 : i32
      %dma_wait3A_327 = tpu.memref_slice %arg4[%add3A_323, %dma_wait3A_326] : memref<819200x128xf32, #tpu.memory_space<hbm>> -> memref<64x128xf32, #tpu.memory_space<hbm>>
      tpu.wait_dma2 semaphore(%arg28 : memref<!tpu.dma_semaphore, #tpu.memory_space<semaphore_mem>>) src(%arg8 : memref<64x128xf32, #tpu.memory_space<vmem>>) dst(%dma_wait3A_327 : memref<64x128xf32, #tpu.memory_space<hbm>>)
      %add3A_328 = arith.constant 5 : i32
      %add3A_329 = arith.addi %add3A_303, %add3A_328 : i32
      %mul3A_330 = arith.constant 64 : i32
      %mul3A_331 = arith.muli %add3A_329, %mul3A_330 : i32
      %dma_start3A_332 = tpu.memref_slice %arg5[%mul3A_331] : memref<25600xi32, #tpu.memory_space<vmem>> -> memref<64xi32, #tpu.memory_space<vmem>>
      %dma_start3A_333 = arith.constant 0 : i32
      %dma_start3A_334 = arith.constant 0 : i32
      %dma_start3A_335 = tpu.memref_slice %arg2[%dma_start3A_333, %dma_start3A_334] : memref<100000x128xf32, #tpu.memory_space<hbm>> -> memref<100000x128xf32, #tpu.memory_space<hbm>>
      tpu.enqueue_indirect_dma source(%dma_start3A_335 : memref<100000x128xf32, #tpu.memory_space<hbm>>) target(%arg8 : memref<64x128xf32, #tpu.memory_space<vmem>>) offsets(%dma_start3A_332 : memref<64xi32, #tpu.memory_space<vmem>>) semaphore(%arg18 : memref<!tpu.dma_semaphore, #tpu.memory_space<semaphore_mem>>)
      %add3A_336 = arith.constant 3 : i32
      %add3A_337 = arith.addi %add3A_234, %add3A_336 : i32
      %mul3A_338 = arith.constant 64 : i32
      %mul3A_339 = arith.muli %add3A_337, %mul3A_338 : i32
      %dma_wait3A_340 = tpu.memref_slice %arg5[%mul3A_339] : memref<25600xi32, #tpu.memory_space<vmem>> -> memref<64xi32, #tpu.memory_space<vmem>>
      %dma_wait3A_341 = arith.constant 0 : i32
      %dma_wait3A_342 = arith.constant 0 : i32
      %dma_wait3A_343 = tpu.memref_slice %arg2[%dma_wait3A_341, %dma_wait3A_342] : memref<100000x128xf32, #tpu.memory_space<hbm>> -> memref<100000x128xf32, #tpu.memory_space<hbm>>
      tpu.wait_indirect_dma semaphore(%arg24 : memref<!tpu.dma_semaphore, #tpu.memory_space<semaphore_mem>>) src(%dma_wait3A_343 : memref<100000x128xf32, #tpu.memory_space<hbm>>) dst(%arg14 : memref<64x128xf32, #tpu.memory_space<vmem>>)
      %mul3A_344 = arith.constant 64 : i32
      %mul3A_345 = arith.muli %add3A_337, %mul3A_344 : i32
      %add3A_346 = arith.addi %mul3A_2, %mul3A_345 : i32
      %dma_start3A_347 = arith.constant 0 : i32
      %dma_start3A_348 = tpu.memref_slice %arg4[%add3A_346, %dma_start3A_347] : memref<819200x128xf32, #tpu.memory_space<hbm>> -> memref<64x128xf32, #tpu.memory_space<hbm>>
      %dma_start3A_349 = arith.constant 0 : i32
      %dma_start3A_350 = tpu.memref_slice %arg4[%add3A_346, %dma_start3A_349] : memref<819200x128xf32, #tpu.memory_space<hbm>> -> memref<64x128xf32, #tpu.memory_space<hbm>>
      tpu.enqueue_dma source(%arg14 : memref<64x128xf32, #tpu.memory_space<vmem>>) target(%dma_start3A_350 : memref<64x128xf32, #tpu.memory_space<hbm>>) target_semaphore(%arg34 : memref<!tpu.dma_semaphore, #tpu.memory_space<semaphore_mem>>)
      %add3A_351 = arith.constant 5 : i32
      %add3A_352 = arith.addi %add3A_337, %add3A_351 : i32
      %sub3A_353 = arith.constant 10 : i32
      %sub3A_354 = arith.subi %add3A_352, %sub3A_353 : i32
      %mul3A_355 = arith.constant 64 : i32
      %mul3A_356 = arith.muli %sub3A_354, %mul3A_355 : i32
      %add3A_357 = arith.addi %mul3A_2, %mul3A_356 : i32
      %dma_wait3A_358 = arith.constant 0 : i32
      %dma_wait3A_359 = tpu.memref_slice %arg4[%add3A_357, %dma_wait3A_358] : memref<819200x128xf32, #tpu.memory_space<hbm>> -> memref<64x128xf32, #tpu.memory_space<hbm>>
      %dma_wait3A_360 = arith.constant 0 : i32
      %dma_wait3A_361 = tpu.memref_slice %arg4[%add3A_357, %dma_wait3A_360] : memref<819200x128xf32, #tpu.memory_space<hbm>> -> memref<64x128xf32, #tpu.memory_space<hbm>>
      tpu.wait_dma2 semaphore(%arg29 : memref<!tpu.dma_semaphore, #tpu.memory_space<semaphore_mem>>) src(%arg9 : memref<64x128xf32, #tpu.memory_space<vmem>>) dst(%dma_wait3A_361 : memref<64x128xf32, #tpu.memory_space<hbm>>)
      %add3A_362 = arith.constant 5 : i32
      %add3A_363 = arith.addi %add3A_337, %add3A_362 : i32
      %mul3A_364 = arith.constant 64 : i32
      %mul3A_365 = arith.muli %add3A_363, %mul3A_364 : i32
      %dma_start3A_366 = tpu.memref_slice %arg5[%mul3A_365] : memref<25600xi32, #tpu.memory_space<vmem>> -> memref<64xi32, #tpu.memory_space<vmem>>
      %dma_start3A_367 = arith.constant 0 : i32
      %dma_start3A_368 = arith.constant 0 : i32
      %dma_start3A_369 = tpu.memref_slice %arg2[%dma_start3A_367, %dma_start3A_368] : memref<100000x128xf32, #tpu.memory_space<hbm>> -> memref<100000x128xf32, #tpu.memory_space<hbm>>
      tpu.enqueue_indirect_dma source(%dma_start3A_369 : memref<100000x128xf32, #tpu.memory_space<hbm>>) target(%arg9 : memref<64x128xf32, #tpu.memory_space<vmem>>) offsets(%dma_start3A_366 : memref<64xi32, #tpu.memory_space<vmem>>) semaphore(%arg19 : memref<!tpu.dma_semaphore, #tpu.memory_space<semaphore_mem>>)
      %add3A_370 = arith.constant 4 : i32
      %add3A_371 = arith.addi %add3A_234, %add3A_370 : i32
      %mul3A_372 = arith.constant 64 : i32
      %mul3A_373 = arith.muli %add3A_371, %mul3A_372 : i32
      %dma_wait3A_374 = tpu.memref_slice %arg5[%mul3A_373] : memref<25600xi32, #tpu.memory_space<vmem>> -> memref<64xi32, #tpu.memory_space<vmem>>
      %dma_wait3A_375 = arith.constant 0 : i32
      %dma_wait3A_376 = arith.constant 0 : i32
      %dma_wait3A_377 = tpu.memref_slice %arg2[%dma_wait3A_375, %dma_wait3A_376] : memref<100000x128xf32, #tpu.memory_space<hbm>> -> memref<100000x128xf32, #tpu.memory_space<hbm>>
      tpu.wait_indirect_dma semaphore(%arg25 : memref<!tpu.dma_semaphore, #tpu.memory_space<semaphore_mem>>) src(%dma_wait3A_377 : memref<100000x128xf32, #tpu.memory_space<hbm>>) dst(%arg15 : memref<64x128xf32, #tpu.memory_space<vmem>>)
      %mul3A_378 = arith.constant 64 : i32
      %mul3A_379 = arith.muli %add3A_371, %mul3A_378 : i32
      %add3A_380 = arith.addi %mul3A_2, %mul3A_379 : i32
      %dma_start3A_381 = arith.constant 0 : i32
      %dma_start3A_382 = tpu.memref_slice %arg4[%add3A_380, %dma_start3A_381] : memref<819200x128xf32, #tpu.memory_space<hbm>> -> memref<64x128xf32, #tpu.memory_space<hbm>>
      %dma_start3A_383 = arith.constant 0 : i32
      %dma_start3A_384 = tpu.memref_slice %arg4[%add3A_380, %dma_start3A_383] : memref<819200x128xf32, #tpu.memory_space<hbm>> -> memref<64x128xf32, #tpu.memory_space<hbm>>
      tpu.enqueue_dma source(%arg15 : memref<64x128xf32, #tpu.memory_space<vmem>>) target(%dma_start3A_384 : memref<64x128xf32, #tpu.memory_space<hbm>>) target_semaphore(%arg35 : memref<!tpu.dma_semaphore, #tpu.memory_space<semaphore_mem>>)
      %add3A_385 = arith.constant 5 : i32
      %add3A_386 = arith.addi %add3A_371, %add3A_385 : i32
      %sub3A_387 = arith.constant 10 : i32
      %sub3A_388 = arith.subi %add3A_386, %sub3A_387 : i32
      %mul3A_389 = arith.constant 64 : i32
      %mul3A_390 = arith.muli %sub3A_388, %mul3A_389 : i32
      %add3A_391 = arith.addi %mul3A_2, %mul3A_390 : i32
      %dma_wait3A_392 = arith.constant 0 : i32
      %dma_wait3A_393 = tpu.memref_slice %arg4[%add3A_391, %dma_wait3A_392] : memref<819200x128xf32, #tpu.memory_space<hbm>> -> memref<64x128xf32, #tpu.memory_space<hbm>>
      %dma_wait3A_394 = arith.constant 0 : i32
      %dma_wait3A_395 = tpu.memref_slice %arg4[%add3A_391, %dma_wait3A_394] : memref<819200x128xf32, #tpu.memory_space<hbm>> -> memref<64x128xf32, #tpu.memory_space<hbm>>
      tpu.wait_dma2 semaphore(%arg30 : memref<!tpu.dma_semaphore, #tpu.memory_space<semaphore_mem>>) src(%arg10 : memref<64x128xf32, #tpu.memory_space<vmem>>) dst(%dma_wait3A_395 : memref<64x128xf32, #tpu.memory_space<hbm>>)
      %add3A_396 = arith.constant 5 : i32
      %add3A_397 = arith.addi %add3A_371, %add3A_396 : i32
      %mul3A_398 = arith.constant 64 : i32
      %mul3A_399 = arith.muli %add3A_397, %mul3A_398 : i32
      %dma_start3A_400 = tpu.memref_slice %arg5[%mul3A_399] : memref<25600xi32, #tpu.memory_space<vmem>> -> memref<64xi32, #tpu.memory_space<vmem>>
      %dma_start3A_401 = arith.constant 0 : i32
      %dma_start3A_402 = arith.constant 0 : i32
      %dma_start3A_403 = tpu.memref_slice %arg2[%dma_start3A_401, %dma_start3A_402] : memref<100000x128xf32, #tpu.memory_space<hbm>> -> memref<100000x128xf32, #tpu.memory_space<hbm>>
      tpu.enqueue_indirect_dma source(%dma_start3A_403 : memref<100000x128xf32, #tpu.memory_space<hbm>>) target(%arg10 : memref<64x128xf32, #tpu.memory_space<vmem>>) offsets(%dma_start3A_400 : memref<64xi32, #tpu.memory_space<vmem>>) semaphore(%arg20 : memref<!tpu.dma_semaphore, #tpu.memory_space<semaphore_mem>>)
      %add3A_404 = arith.constant 5 : i32
      %add3A_405 = arith.addi %add3A_234, %add3A_404 : i32
      %mul3A_406 = arith.constant 64 : i32
      %mul3A_407 = arith.muli %add3A_405, %mul3A_406 : i32
      %dma_wait3A_408 = tpu.memref_slice %arg5[%mul3A_407] : memref<25600xi32, #tpu.memory_space<vmem>> -> memref<64xi32, #tpu.memory_space<vmem>>
      %dma_wait3A_409 = arith.constant 0 : i32
      %dma_wait3A_410 = arith.constant 0 : i32
      %dma_wait3A_411 = tpu.memref_slice %arg2[%dma_wait3A_409, %dma_wait3A_410] : memref<100000x128xf32, #tpu.memory_space<hbm>> -> memref<100000x128xf32, #tpu.memory_space<hbm>>
      tpu.wait_indirect_dma semaphore(%arg16 : memref<!tpu.dma_semaphore, #tpu.memory_space<semaphore_mem>>) src(%dma_wait3A_411 : memref<100000x128xf32, #tpu.memory_space<hbm>>) dst(%arg6 : memref<64x128xf32, #tpu.memory_space<vmem>>)
      %mul3A_412 = arith.constant 64 : i32
      %mul3A_413 = arith.muli %add3A_405, %mul3A_412 : i32
      %add3A_414 = arith.addi %mul3A_2, %mul3A_413 : i32
      %dma_start3A_415 = arith.constant 0 : i32
      %dma_start3A_416 = tpu.memref_slice %arg4[%add3A_414, %dma_start3A_415] : memref<819200x128xf32, #tpu.memory_space<hbm>> -> memref<64x128xf32, #tpu.memory_space<hbm>>
      %dma_start3A_417 = arith.constant 0 : i32
      %dma_start3A_418 = tpu.memref_slice %arg4[%add3A_414, %dma_start3A_417] : memref<819200x128xf32, #tpu.memory_space<hbm>> -> memref<64x128xf32, #tpu.memory_space<hbm>>
      tpu.enqueue_dma source(%arg6 : memref<64x128xf32, #tpu.memory_space<vmem>>) target(%dma_start3A_418 : memref<64x128xf32, #tpu.memory_space<hbm>>) target_semaphore(%arg26 : memref<!tpu.dma_semaphore, #tpu.memory_space<semaphore_mem>>)
      %add3A_419 = arith.constant 5 : i32
      %add3A_420 = arith.addi %add3A_405, %add3A_419 : i32
      %sub3A_421 = arith.constant 10 : i32
      %sub3A_422 = arith.subi %add3A_420, %sub3A_421 : i32
      %mul3A_423 = arith.constant 64 : i32
      %mul3A_424 = arith.muli %sub3A_422, %mul3A_423 : i32
      %add3A_425 = arith.addi %mul3A_2, %mul3A_424 : i32
      %dma_wait3A_426 = arith.constant 0 : i32
      %dma_wait3A_427 = tpu.memref_slice %arg4[%add3A_425, %dma_wait3A_426] : memref<819200x128xf32, #tpu.memory_space<hbm>> -> memref<64x128xf32, #tpu.memory_space<hbm>>
      %dma_wait3A_428 = arith.constant 0 : i32
      %dma_wait3A_429 = tpu.memref_slice %arg4[%add3A_425, %dma_wait3A_428] : memref<819200x128xf32, #tpu.memory_space<hbm>> -> memref<64x128xf32, #tpu.memory_space<hbm>>
      tpu.wait_dma2 semaphore(%arg31 : memref<!tpu.dma_semaphore, #tpu.memory_space<semaphore_mem>>) src(%arg11 : memref<64x128xf32, #tpu.memory_space<vmem>>) dst(%dma_wait3A_429 : memref<64x128xf32, #tpu.memory_space<hbm>>)
      %add3A_430 = arith.constant 5 : i32
      %add3A_431 = arith.addi %add3A_405, %add3A_430 : i32
      %mul3A_432 = arith.constant 64 : i32
      %mul3A_433 = arith.muli %add3A_431, %mul3A_432 : i32
      %dma_start3A_434 = tpu.memref_slice %arg5[%mul3A_433] : memref<25600xi32, #tpu.memory_space<vmem>> -> memref<64xi32, #tpu.memory_space<vmem>>
      %dma_start3A_435 = arith.constant 0 : i32
      %dma_start3A_436 = arith.constant 0 : i32
      %dma_start3A_437 = tpu.memref_slice %arg2[%dma_start3A_435, %dma_start3A_436] : memref<100000x128xf32, #tpu.memory_space<hbm>> -> memref<100000x128xf32, #tpu.memory_space<hbm>>
      tpu.enqueue_indirect_dma source(%dma_start3A_437 : memref<100000x128xf32, #tpu.memory_space<hbm>>) target(%arg11 : memref<64x128xf32, #tpu.memory_space<vmem>>) offsets(%dma_start3A_434 : memref<64xi32, #tpu.memory_space<vmem>>) semaphore(%arg21 : memref<!tpu.dma_semaphore, #tpu.memory_space<semaphore_mem>>)
      %add3A_438 = arith.constant 6 : i32
      %add3A_439 = arith.addi %add3A_234, %add3A_438 : i32
      %mul3A_440 = arith.constant 64 : i32
      %mul3A_441 = arith.muli %add3A_439, %mul3A_440 : i32
      %dma_wait3A_442 = tpu.memref_slice %arg5[%mul3A_441] : memref<25600xi32, #tpu.memory_space<vmem>> -> memref<64xi32, #tpu.memory_space<vmem>>
      %dma_wait3A_443 = arith.constant 0 : i32
      %dma_wait3A_444 = arith.constant 0 : i32
      %dma_wait3A_445 = tpu.memref_slice %arg2[%dma_wait3A_443, %dma_wait3A_444] : memref<100000x128xf32, #tpu.memory_space<hbm>> -> memref<100000x128xf32, #tpu.memory_space<hbm>>
      tpu.wait_indirect_dma semaphore(%arg17 : memref<!tpu.dma_semaphore, #tpu.memory_space<semaphore_mem>>) src(%dma_wait3A_445 : memref<100000x128xf32, #tpu.memory_space<hbm>>) dst(%arg7 : memref<64x128xf32, #tpu.memory_space<vmem>>)
      %mul3A_446 = arith.constant 64 : i32
      %mul3A_447 = arith.muli %add3A_439, %mul3A_446 : i32
      %add3A_448 = arith.addi %mul3A_2, %mul3A_447 : i32
      %dma_start3A_449 = arith.constant 0 : i32
      %dma_start3A_450 = tpu.memref_slice %arg4[%add3A_448, %dma_start3A_449] : memref<819200x128xf32, #tpu.memory_space<hbm>> -> memref<64x128xf32, #tpu.memory_space<hbm>>
      %dma_start3A_451 = arith.constant 0 : i32
      %dma_start3A_452 = tpu.memref_slice %arg4[%add3A_448, %dma_start3A_451] : memref<819200x128xf32, #tpu.memory_space<hbm>> -> memref<64x128xf32, #tpu.memory_space<hbm>>
      tpu.enqueue_dma source(%arg7 : memref<64x128xf32, #tpu.memory_space<vmem>>) target(%dma_start3A_452 : memref<64x128xf32, #tpu.memory_space<hbm>>) target_semaphore(%arg27 : memref<!tpu.dma_semaphore, #tpu.memory_space<semaphore_mem>>)
      %add3A_453 = arith.constant 5 : i32
      %add3A_454 = arith.addi %add3A_439, %add3A_453 : i32
      %sub3A_455 = arith.constant 10 : i32
      %sub3A_456 = arith.subi %add3A_454, %sub3A_455 : i32
      %mul3A_457 = arith.constant 64 : i32
      %mul3A_458 = arith.muli %sub3A_456, %mul3A_457 : i32
      %add3A_459 = arith.addi %mul3A_2, %mul3A_458 : i32
      %dma_wait3A_460 = arith.constant 0 : i32
      %dma_wait3A_461 = tpu.memref_slice %arg4[%add3A_459, %dma_wait3A_460] : memref<819200x128xf32, #tpu.memory_space<hbm>> -> memref<64x128xf32, #tpu.memory_space<hbm>>
      %dma_wait3A_462 = arith.constant 0 : i32
      %dma_wait3A_463 = tpu.memref_slice %arg4[%add3A_459, %dma_wait3A_462] : memref<819200x128xf32, #tpu.memory_space<hbm>> -> memref<64x128xf32, #tpu.memory_space<hbm>>
      tpu.wait_dma2 semaphore(%arg32 : memref<!tpu.dma_semaphore, #tpu.memory_space<semaphore_mem>>) src(%arg12 : memref<64x128xf32, #tpu.memory_space<vmem>>) dst(%dma_wait3A_463 : memref<64x128xf32, #tpu.memory_space<hbm>>)
      %add3A_464 = arith.constant 5 : i32
      %add3A_465 = arith.addi %add3A_439, %add3A_464 : i32
      %mul3A_466 = arith.constant 64 : i32
      %mul3A_467 = arith.muli %add3A_465, %mul3A_466 : i32
      %dma_start3A_468 = tpu.memref_slice %arg5[%mul3A_467] : memref<25600xi32, #tpu.memory_space<vmem>> -> memref<64xi32, #tpu.memory_space<vmem>>
      %dma_start3A_469 = arith.constant 0 : i32
      %dma_start3A_470 = arith.constant 0 : i32
      %dma_start3A_471 = tpu.memref_slice %arg2[%dma_start3A_469, %dma_start3A_470] : memref<100000x128xf32, #tpu.memory_space<hbm>> -> memref<100000x128xf32, #tpu.memory_space<hbm>>
      tpu.enqueue_indirect_dma source(%dma_start3A_471 : memref<100000x128xf32, #tpu.memory_space<hbm>>) target(%arg12 : memref<64x128xf32, #tpu.memory_space<vmem>>) offsets(%dma_start3A_468 : memref<64xi32, #tpu.memory_space<vmem>>) semaphore(%arg22 : memref<!tpu.dma_semaphore, #tpu.memory_space<semaphore_mem>>)
      %add3A_472 = arith.constant 7 : i32
      %add3A_473 = arith.addi %add3A_234, %add3A_472 : i32
      %mul3A_474 = arith.constant 64 : i32
      %mul3A_475 = arith.muli %add3A_473, %mul3A_474 : i32
      %dma_wait3A_476 = tpu.memref_slice %arg5[%mul3A_475] : memref<25600xi32, #tpu.memory_space<vmem>> -> memref<64xi32, #tpu.memory_space<vmem>>
      %dma_wait3A_477 = arith.constant 0 : i32
      %dma_wait3A_478 = arith.constant 0 : i32
      %dma_wait3A_479 = tpu.memref_slice %arg2[%dma_wait3A_477, %dma_wait3A_478] : memref<100000x128xf32, #tpu.memory_space<hbm>> -> memref<100000x128xf32, #tpu.memory_space<hbm>>
      tpu.wait_indirect_dma semaphore(%arg18 : memref<!tpu.dma_semaphore, #tpu.memory_space<semaphore_mem>>) src(%dma_wait3A_479 : memref<100000x128xf32, #tpu.memory_space<hbm>>) dst(%arg8 : memref<64x128xf32, #tpu.memory_space<vmem>>)
      %mul3A_480 = arith.constant 64 : i32
      %mul3A_481 = arith.muli %add3A_473, %mul3A_480 : i32
      %add3A_482 = arith.addi %mul3A_2, %mul3A_481 : i32
      %dma_start3A_483 = arith.constant 0 : i32
      %dma_start3A_484 = tpu.memref_slice %arg4[%add3A_482, %dma_start3A_483] : memref<819200x128xf32, #tpu.memory_space<hbm>> -> memref<64x128xf32, #tpu.memory_space<hbm>>
      %dma_start3A_485 = arith.constant 0 : i32
      %dma_start3A_486 = tpu.memref_slice %arg4[%add3A_482, %dma_start3A_485] : memref<819200x128xf32, #tpu.memory_space<hbm>> -> memref<64x128xf32, #tpu.memory_space<hbm>>
      tpu.enqueue_dma source(%arg8 : memref<64x128xf32, #tpu.memory_space<vmem>>) target(%dma_start3A_486 : memref<64x128xf32, #tpu.memory_space<hbm>>) target_semaphore(%arg28 : memref<!tpu.dma_semaphore, #tpu.memory_space<semaphore_mem>>)
      %add3A_487 = arith.constant 5 : i32
      %add3A_488 = arith.addi %add3A_473, %add3A_487 : i32
      %sub3A_489 = arith.constant 10 : i32
      %sub3A_490 = arith.subi %add3A_488, %sub3A_489 : i32
      %mul3A_491 = arith.constant 64 : i32
      %mul3A_492 = arith.muli %sub3A_490, %mul3A_491 : i32
      %add3A_493 = arith.addi %mul3A_2, %mul3A_492 : i32
      %dma_wait3A_494 = arith.constant 0 : i32
      %dma_wait3A_495 = tpu.memref_slice %arg4[%add3A_493, %dma_wait3A_494] : memref<819200x128xf32, #tpu.memory_space<hbm>> -> memref<64x128xf32, #tpu.memory_space<hbm>>
      %dma_wait3A_496 = arith.constant 0 : i32
      %dma_wait3A_497 = tpu.memref_slice %arg4[%add3A_493, %dma_wait3A_496] : memref<819200x128xf32, #tpu.memory_space<hbm>> -> memref<64x128xf32, #tpu.memory_space<hbm>>
      tpu.wait_dma2 semaphore(%arg33 : memref<!tpu.dma_semaphore, #tpu.memory_space<semaphore_mem>>) src(%arg13 : memref<64x128xf32, #tpu.memory_space<vmem>>) dst(%dma_wait3A_497 : memref<64x128xf32, #tpu.memory_space<hbm>>)
      %add3A_498 = arith.constant 5 : i32
      %add3A_499 = arith.addi %add3A_473, %add3A_498 : i32
      %mul3A_500 = arith.constant 64 : i32
      %mul3A_501 = arith.muli %add3A_499, %mul3A_500 : i32
      %dma_start3A_502 = tpu.memref_slice %arg5[%mul3A_501] : memref<25600xi32, #tpu.memory_space<vmem>> -> memref<64xi32, #tpu.memory_space<vmem>>
      %dma_start3A_503 = arith.constant 0 : i32
      %dma_start3A_504 = arith.constant 0 : i32
      %dma_start3A_505 = tpu.memref_slice %arg2[%dma_start3A_503, %dma_start3A_504] : memref<100000x128xf32, #tpu.memory_space<hbm>> -> memref<100000x128xf32, #tpu.memory_space<hbm>>
      tpu.enqueue_indirect_dma source(%dma_start3A_505 : memref<100000x128xf32, #tpu.memory_space<hbm>>) target(%arg13 : memref<64x128xf32, #tpu.memory_space<vmem>>) offsets(%dma_start3A_502 : memref<64xi32, #tpu.memory_space<vmem>>) semaphore(%arg23 : memref<!tpu.dma_semaphore, #tpu.memory_space<semaphore_mem>>)
      %add3A_506 = arith.constant 8 : i32
      %add3A_507 = arith.addi %add3A_234, %add3A_506 : i32
      %mul3A_508 = arith.constant 64 : i32
      %mul3A_509 = arith.muli %add3A_507, %mul3A_508 : i32
      %dma_wait3A_510 = tpu.memref_slice %arg5[%mul3A_509] : memref<25600xi32, #tpu.memory_space<vmem>> -> memref<64xi32, #tpu.memory_space<vmem>>
      %dma_wait3A_511 = arith.constant 0 : i32
      %dma_wait3A_512 = arith.constant 0 : i32
      %dma_wait3A_513 = tpu.memref_slice %arg2[%dma_wait3A_511, %dma_wait3A_512] : memref<100000x128xf32, #tpu.memory_space<hbm>> -> memref<100000x128xf32, #tpu.memory_space<hbm>>
      tpu.wait_indirect_dma semaphore(%arg19 : memref<!tpu.dma_semaphore, #tpu.memory_space<semaphore_mem>>) src(%dma_wait3A_513 : memref<100000x128xf32, #tpu.memory_space<hbm>>) dst(%arg9 : memref<64x128xf32, #tpu.memory_space<vmem>>)
      %mul3A_514 = arith.constant 64 : i32
      %mul3A_515 = arith.muli %add3A_507, %mul3A_514 : i32
      %add3A_516 = arith.addi %mul3A_2, %mul3A_515 : i32
      %dma_start3A_517 = arith.constant 0 : i32
      %dma_start3A_518 = tpu.memref_slice %arg4[%add3A_516, %dma_start3A_517] : memref<819200x128xf32, #tpu.memory_space<hbm>> -> memref<64x128xf32, #tpu.memory_space<hbm>>
      %dma_start3A_519 = arith.constant 0 : i32
      %dma_start3A_520 = tpu.memref_slice %arg4[%add3A_516, %dma_start3A_519] : memref<819200x128xf32, #tpu.memory_space<hbm>> -> memref<64x128xf32, #tpu.memory_space<hbm>>
      tpu.enqueue_dma source(%arg9 : memref<64x128xf32, #tpu.memory_space<vmem>>) target(%dma_start3A_520 : memref<64x128xf32, #tpu.memory_space<hbm>>) target_semaphore(%arg29 : memref<!tpu.dma_semaphore, #tpu.memory_space<semaphore_mem>>)
      %add3A_521 = arith.constant 5 : i32
      %add3A_522 = arith.addi %add3A_507, %add3A_521 : i32
      %sub3A_523 = arith.constant 10 : i32
      %sub3A_524 = arith.subi %add3A_522, %sub3A_523 : i32
      %mul3A_525 = arith.constant 64 : i32
      %mul3A_526 = arith.muli %sub3A_524, %mul3A_525 : i32
      %add3A_527 = arith.addi %mul3A_2, %mul3A_526 : i32
      %dma_wait3A_528 = arith.constant 0 : i32
      %dma_wait3A_529 = tpu.memref_slice %arg4[%add3A_527, %dma_wait3A_528] : memref<819200x128xf32, #tpu.memory_space<hbm>> -> memref<64x128xf32, #tpu.memory_space<hbm>>
      %dma_wait3A_530 = arith.constant 0 : i32
      %dma_wait3A_531 = tpu.memref_slice %arg4[%add3A_527, %dma_wait3A_530] : memref<819200x128xf32, #tpu.memory_space<hbm>> -> memref<64x128xf32, #tpu.memory_space<hbm>>
      tpu.wait_dma2 semaphore(%arg34 : memref<!tpu.dma_semaphore, #tpu.memory_space<semaphore_mem>>) src(%arg14 : memref<64x128xf32, #tpu.memory_space<vmem>>) dst(%dma_wait3A_531 : memref<64x128xf32, #tpu.memory_space<hbm>>)
      %add3A_532 = arith.constant 5 : i32
      %add3A_533 = arith.addi %add3A_507, %add3A_532 : i32
      %mul3A_534 = arith.constant 64 : i32
      %mul3A_535 = arith.muli %add3A_533, %mul3A_534 : i32
      %dma_start3A_536 = tpu.memref_slice %arg5[%mul3A_535] : memref<25600xi32, #tpu.memory_space<vmem>> -> memref<64xi32, #tpu.memory_space<vmem>>
      %dma_start3A_537 = arith.constant 0 : i32
      %dma_start3A_538 = arith.constant 0 : i32
      %dma_start3A_539 = tpu.memref_slice %arg2[%dma_start3A_537, %dma_start3A_538] : memref<100000x128xf32, #tpu.memory_space<hbm>> -> memref<100000x128xf32, #tpu.memory_space<hbm>>
      tpu.enqueue_indirect_dma source(%dma_start3A_539 : memref<100000x128xf32, #tpu.memory_space<hbm>>) target(%arg14 : memref<64x128xf32, #tpu.memory_space<vmem>>) offsets(%dma_start3A_536 : memref<64xi32, #tpu.memory_space<vmem>>) semaphore(%arg24 : memref<!tpu.dma_semaphore, #tpu.memory_space<semaphore_mem>>)
      %add3A_540 = arith.constant 9 : i32
      %add3A_541 = arith.addi %add3A_234, %add3A_540 : i32
      %mul3A_542 = arith.constant 64 : i32
      %mul3A_543 = arith.muli %add3A_541, %mul3A_542 : i32
      %dma_wait3A_544 = tpu.memref_slice %arg5[%mul3A_543] : memref<25600xi32, #tpu.memory_space<vmem>> -> memref<64xi32, #tpu.memory_space<vmem>>
      %dma_wait3A_545 = arith.constant 0 : i32
      %dma_wait3A_546 = arith.constant 0 : i32
      %dma_wait3A_547 = tpu.memref_slice %arg2[%dma_wait3A_545, %dma_wait3A_546] : memref<100000x128xf32, #tpu.memory_space<hbm>> -> memref<100000x128xf32, #tpu.memory_space<hbm>>
      tpu.wait_indirect_dma semaphore(%arg20 : memref<!tpu.dma_semaphore, #tpu.memory_space<semaphore_mem>>) src(%dma_wait3A_547 : memref<100000x128xf32, #tpu.memory_space<hbm>>) dst(%arg10 : memref<64x128xf32, #tpu.memory_space<vmem>>)
      %mul3A_548 = arith.constant 64 : i32
      %mul3A_549 = arith.muli %add3A_541, %mul3A_548 : i32
      %add3A_550 = arith.addi %mul3A_2, %mul3A_549 : i32
      %dma_start3A_551 = arith.constant 0 : i32
      %dma_start3A_552 = tpu.memref_slice %arg4[%add3A_550, %dma_start3A_551] : memref<819200x128xf32, #tpu.memory_space<hbm>> -> memref<64x128xf32, #tpu.memory_space<hbm>>
      %dma_start3A_553 = arith.constant 0 : i32
      %dma_start3A_554 = tpu.memref_slice %arg4[%add3A_550, %dma_start3A_553] : memref<819200x128xf32, #tpu.memory_space<hbm>> -> memref<64x128xf32, #tpu.memory_space<hbm>>
      tpu.enqueue_dma source(%arg10 : memref<64x128xf32, #tpu.memory_space<vmem>>) target(%dma_start3A_554 : memref<64x128xf32, #tpu.memory_space<hbm>>) target_semaphore(%arg30 : memref<!tpu.dma_semaphore, #tpu.memory_space<semaphore_mem>>)
      %add3A_555 = arith.constant 5 : i32
      %add3A_556 = arith.addi %add3A_541, %add3A_555 : i32
      %sub3A_557 = arith.constant 10 : i32
      %sub3A_558 = arith.subi %add3A_556, %sub3A_557 : i32
      %mul3A_559 = arith.constant 64 : i32
      %mul3A_560 = arith.muli %sub3A_558, %mul3A_559 : i32
      %add3A_561 = arith.addi %mul3A_2, %mul3A_560 : i32
      %dma_wait3A_562 = arith.constant 0 : i32
      %dma_wait3A_563 = tpu.memref_slice %arg4[%add3A_561, %dma_wait3A_562] : memref<819200x128xf32, #tpu.memory_space<hbm>> -> memref<64x128xf32, #tpu.memory_space<hbm>>
      %dma_wait3A_564 = arith.constant 0 : i32
      %dma_wait3A_565 = tpu.memref_slice %arg4[%add3A_561, %dma_wait3A_564] : memref<819200x128xf32, #tpu.memory_space<hbm>> -> memref<64x128xf32, #tpu.memory_space<hbm>>
      tpu.wait_dma2 semaphore(%arg35 : memref<!tpu.dma_semaphore, #tpu.memory_space<semaphore_mem>>) src(%arg15 : memref<64x128xf32, #tpu.memory_space<vmem>>) dst(%dma_wait3A_565 : memref<64x128xf32, #tpu.memory_space<hbm>>)
      %add3A_566 = arith.constant 5 : i32
      %add3A_567 = arith.addi %add3A_541, %add3A_566 : i32
      %mul3A_568 = arith.constant 64 : i32
      %mul3A_569 = arith.muli %add3A_567, %mul3A_568 : i32
      %dma_start3A_570 = tpu.memref_slice %arg5[%mul3A_569] : memref<25600xi32, #tpu.memory_space<vmem>> -> memref<64xi32, #tpu.memory_space<vmem>>
      %dma_start3A_571 = arith.constant 0 : i32
      %dma_start3A_572 = arith.constant 0 : i32
      %dma_start3A_573 = tpu.memref_slice %arg2[%dma_start3A_571, %dma_start3A_572] : memref<100000x128xf32, #tpu.memory_space<hbm>> -> memref<100000x128xf32, #tpu.memory_space<hbm>>
      tpu.enqueue_indirect_dma source(%dma_start3A_573 : memref<100000x128xf32, #tpu.memory_space<hbm>>) target(%arg15 : memref<64x128xf32, #tpu.memory_space<vmem>>) offsets(%dma_start3A_570 : memref<64xi32, #tpu.memory_space<vmem>>) semaphore(%arg25 : memref<!tpu.dma_semaphore, #tpu.memory_space<semaphore_mem>>)
    }
    %scan3A_114 = arith.constant 39 : i32
    %dma_wait3A_115 = arith.constant 25280 : i32
    %dma_wait3A_116 = tpu.memref_slice %arg5[%dma_wait3A_115] : memref<25600xi32, #tpu.memory_space<vmem>> -> memref<64xi32, #tpu.memory_space<vmem>>
    %dma_wait3A_117 = arith.constant 0 : i32
    %dma_wait3A_118 = arith.constant 0 : i32
    %dma_wait3A_119 = tpu.memref_slice %arg2[%dma_wait3A_117, %dma_wait3A_118] : memref<100000x128xf32, #tpu.memory_space<hbm>> -> memref<100000x128xf32, #tpu.memory_space<hbm>>
    tpu.wait_indirect_dma semaphore(%arg21 : memref<!tpu.dma_semaphore, #tpu.memory_space<semaphore_mem>>) src(%dma_wait3A_119 : memref<100000x128xf32, #tpu.memory_space<hbm>>) dst(%arg11 : memref<64x128xf32, #tpu.memory_space<vmem>>)
    %add3A_120 = arith.constant 25280 : i32
    %add3A_121 = arith.addi %mul3A_2, %add3A_120 : i32
    %dma_start3A_122 = arith.constant 0 : i32
    %dma_start3A_123 = tpu.memref_slice %arg4[%add3A_121, %dma_start3A_122] : memref<819200x128xf32, #tpu.memory_space<hbm>> -> memref<64x128xf32, #tpu.memory_space<hbm>>
    %dma_start3A_124 = arith.constant 0 : i32
    %dma_start3A_125 = tpu.memref_slice %arg4[%add3A_121, %dma_start3A_124] : memref<819200x128xf32, #tpu.memory_space<hbm>> -> memref<64x128xf32, #tpu.memory_space<hbm>>
    tpu.enqueue_dma source(%arg11 : memref<64x128xf32, #tpu.memory_space<vmem>>) target(%dma_start3A_125 : memref<64x128xf32, #tpu.memory_space<hbm>>) target_semaphore(%arg31 : memref<!tpu.dma_semaphore, #tpu.memory_space<semaphore_mem>>)
    %dma_wait3A_126 = arith.constant 25344 : i32
    %dma_wait3A_127 = tpu.memref_slice %arg5[%dma_wait3A_126] : memref<25600xi32, #tpu.memory_space<vmem>> -> memref<64xi32, #tpu.memory_space<vmem>>
    %dma_wait3A_128 = arith.constant 0 : i32
    %dma_wait3A_129 = arith.constant 0 : i32
    %dma_wait3A_130 = tpu.memref_slice %arg2[%dma_wait3A_128, %dma_wait3A_129] : memref<100000x128xf32, #tpu.memory_space<hbm>> -> memref<100000x128xf32, #tpu.memory_space<hbm>>
    tpu.wait_indirect_dma semaphore(%arg22 : memref<!tpu.dma_semaphore, #tpu.memory_space<semaphore_mem>>) src(%dma_wait3A_130 : memref<100000x128xf32, #tpu.memory_space<hbm>>) dst(%arg12 : memref<64x128xf32, #tpu.memory_space<vmem>>)
    %add3A_131 = arith.constant 25344 : i32
    %add3A_132 = arith.addi %mul3A_2, %add3A_131 : i32
    %dma_start3A_133 = arith.constant 0 : i32
    %dma_start3A_134 = tpu.memref_slice %arg4[%add3A_132, %dma_start3A_133] : memref<819200x128xf32, #tpu.memory_space<hbm>> -> memref<64x128xf32, #tpu.memory_space<hbm>>
    %dma_start3A_135 = arith.constant 0 : i32
    %dma_start3A_136 = tpu.memref_slice %arg4[%add3A_132, %dma_start3A_135] : memref<819200x128xf32, #tpu.memory_space<hbm>> -> memref<64x128xf32, #tpu.memory_space<hbm>>
    tpu.enqueue_dma source(%arg12 : memref<64x128xf32, #tpu.memory_space<vmem>>) target(%dma_start3A_136 : memref<64x128xf32, #tpu.memory_space<hbm>>) target_semaphore(%arg32 : memref<!tpu.dma_semaphore, #tpu.memory_space<semaphore_mem>>)
    %dma_wait3A_137 = arith.constant 25408 : i32
    %dma_wait3A_138 = tpu.memref_slice %arg5[%dma_wait3A_137] : memref<25600xi32, #tpu.memory_space<vmem>> -> memref<64xi32, #tpu.memory_space<vmem>>
    %dma_wait3A_139 = arith.constant 0 : i32
    %dma_wait3A_140 = arith.constant 0 : i32
    %dma_wait3A_141 = tpu.memref_slice %arg2[%dma_wait3A_139, %dma_wait3A_140] : memref<100000x128xf32, #tpu.memory_space<hbm>> -> memref<100000x128xf32, #tpu.memory_space<hbm>>
    tpu.wait_indirect_dma semaphore(%arg23 : memref<!tpu.dma_semaphore, #tpu.memory_space<semaphore_mem>>) src(%dma_wait3A_141 : memref<100000x128xf32, #tpu.memory_space<hbm>>) dst(%arg13 : memref<64x128xf32, #tpu.memory_space<vmem>>)
    %add3A_142 = arith.constant 25408 : i32
    %add3A_143 = arith.addi %mul3A_2, %add3A_142 : i32
    %dma_start3A_144 = arith.constant 0 : i32
    %dma_start3A_145 = tpu.memref_slice %arg4[%add3A_143, %dma_start3A_144] : memref<819200x128xf32, #tpu.memory_space<hbm>> -> memref<64x128xf32, #tpu.memory_space<hbm>>
    %dma_start3A_146 = arith.constant 0 : i32
    %dma_start3A_147 = tpu.memref_slice %arg4[%add3A_143, %dma_start3A_146] : memref<819200x128xf32, #tpu.memory_space<hbm>> -> memref<64x128xf32, #tpu.memory_space<hbm>>
    tpu.enqueue_dma source(%arg13 : memref<64x128xf32, #tpu.memory_space<vmem>>) target(%dma_start3A_147 : memref<64x128xf32, #tpu.memory_space<hbm>>) target_semaphore(%arg33 : memref<!tpu.dma_semaphore, #tpu.memory_space<semaphore_mem>>)
    %dma_wait3A_148 = arith.constant 25472 : i32
    %dma_wait3A_149 = tpu.memref_slice %arg5[%dma_wait3A_148] : memref<25600xi32, #tpu.memory_space<vmem>> -> memref<64xi32, #tpu.memory_space<vmem>>
    %dma_wait3A_150 = arith.constant 0 : i32
    %dma_wait3A_151 = arith.constant 0 : i32
    %dma_wait3A_152 = tpu.memref_slice %arg2[%dma_wait3A_150, %dma_wait3A_151] : memref<100000x128xf32, #tpu.memory_space<hbm>> -> memref<100000x128xf32, #tpu.memory_space<hbm>>
    tpu.wait_indirect_dma semaphore(%arg24 : memref<!tpu.dma_semaphore, #tpu.memory_space<semaphore_mem>>) src(%dma_wait3A_152 : memref<100000x128xf32, #tpu.memory_space<hbm>>) dst(%arg14 : memref<64x128xf32, #tpu.memory_space<vmem>>)
    %add3A_153 = arith.constant 25472 : i32
    %add3A_154 = arith.addi %mul3A_2, %add3A_153 : i32
    %dma_start3A_155 = arith.constant 0 : i32
    %dma_start3A_156 = tpu.memref_slice %arg4[%add3A_154, %dma_start3A_155] : memref<819200x128xf32, #tpu.memory_space<hbm>> -> memref<64x128xf32, #tpu.memory_space<hbm>>
    %dma_start3A_157 = arith.constant 0 : i32
    %dma_start3A_158 = tpu.memref_slice %arg4[%add3A_154, %dma_start3A_157] : memref<819200x128xf32, #tpu.memory_space<hbm>> -> memref<64x128xf32, #tpu.memory_space<hbm>>
    tpu.enqueue_dma source(%arg14 : memref<64x128xf32, #tpu.memory_space<vmem>>) target(%dma_start3A_158 : memref<64x128xf32, #tpu.memory_space<hbm>>) target_semaphore(%arg34 : memref<!tpu.dma_semaphore, #tpu.memory_space<semaphore_mem>>)
    %dma_wait3A_159 = arith.constant 25536 : i32
    %dma_wait3A_160 = tpu.memref_slice %arg5[%dma_wait3A_159] : memref<25600xi32, #tpu.memory_space<vmem>> -> memref<64xi32, #tpu.memory_space<vmem>>
    %dma_wait3A_161 = arith.constant 0 : i32
    %dma_wait3A_162 = arith.constant 0 : i32
    %dma_wait3A_163 = tpu.memref_slice %arg2[%dma_wait3A_161, %dma_wait3A_162] : memref<100000x128xf32, #tpu.memory_space<hbm>> -> memref<100000x128xf32, #tpu.memory_space<hbm>>
    tpu.wait_indirect_dma semaphore(%arg25 : memref<!tpu.dma_semaphore, #tpu.memory_space<semaphore_mem>>) src(%dma_wait3A_163 : memref<100000x128xf32, #tpu.memory_space<hbm>>) dst(%arg15 : memref<64x128xf32, #tpu.memory_space<vmem>>)
    %add3A_164 = arith.constant 25536 : i32
    %add3A_165 = arith.addi %mul3A_2, %add3A_164 : i32
    %dma_start3A_166 = arith.constant 0 : i32
    %dma_start3A_167 = tpu.memref_slice %arg4[%add3A_165, %dma_start3A_166] : memref<819200x128xf32, #tpu.memory_space<hbm>> -> memref<64x128xf32, #tpu.memory_space<hbm>>
    %dma_start3A_168 = arith.constant 0 : i32
    %dma_start3A_169 = tpu.memref_slice %arg4[%add3A_165, %dma_start3A_168] : memref<819200x128xf32, #tpu.memory_space<hbm>> -> memref<64x128xf32, #tpu.memory_space<hbm>>
    tpu.enqueue_dma source(%arg15 : memref<64x128xf32, #tpu.memory_space<vmem>>) target(%dma_start3A_169 : memref<64x128xf32, #tpu.memory_space<hbm>>) target_semaphore(%arg35 : memref<!tpu.dma_semaphore, #tpu.memory_space<semaphore_mem>>)
    %add3A_170 = arith.constant 24960 : i32
    %add3A_171 = arith.addi %mul3A_2, %add3A_170 : i32
    %dma_wait3A_172 = arith.constant 0 : i32
    %dma_wait3A_173 = tpu.memref_slice %arg4[%add3A_171, %dma_wait3A_172] : memref<819200x128xf32, #tpu.memory_space<hbm>> -> memref<64x128xf32, #tpu.memory_space<hbm>>
    %dma_wait3A_174 = arith.constant 0 : i32
    %dma_wait3A_175 = tpu.memref_slice %arg4[%add3A_171, %dma_wait3A_174] : memref<819200x128xf32, #tpu.memory_space<hbm>> -> memref<64x128xf32, #tpu.memory_space<hbm>>
    tpu.wait_dma2 semaphore(%arg26 : memref<!tpu.dma_semaphore, #tpu.memory_space<semaphore_mem>>) src(%arg6 : memref<64x128xf32, #tpu.memory_space<vmem>>) dst(%dma_wait3A_175 : memref<64x128xf32, #tpu.memory_space<hbm>>)
    %add3A_176 = arith.constant 25024 : i32
    %add3A_177 = arith.addi %mul3A_2, %add3A_176 : i32
    %dma_wait3A_178 = arith.constant 0 : i32
    %dma_wait3A_179 = tpu.memref_slice %arg4[%add3A_177, %dma_wait3A_178] : memref<819200x128xf32, #tpu.memory_space<hbm>> -> memref<64x128xf32, #tpu.memory_space<hbm>>
    %dma_wait3A_180 = arith.constant 0 : i32
    %dma_wait3A_181 = tpu.memref_slice %arg4[%add3A_177, %dma_wait3A_180] : memref<819200x128xf32, #tpu.memory_space<hbm>> -> memref<64x128xf32, #tpu.memory_space<hbm>>
    tpu.wait_dma2 semaphore(%arg27 : memref<!tpu.dma_semaphore, #tpu.memory_space<semaphore_mem>>) src(%arg7 : memref<64x128xf32, #tpu.memory_space<vmem>>) dst(%dma_wait3A_181 : memref<64x128xf32, #tpu.memory_space<hbm>>)
    %add3A_182 = arith.constant 25088 : i32
    %add3A_183 = arith.addi %mul3A_2, %add3A_182 : i32
    %dma_wait3A_184 = arith.constant 0 : i32
    %dma_wait3A_185 = tpu.memref_slice %arg4[%add3A_183, %dma_wait3A_184] : memref<819200x128xf32, #tpu.memory_space<hbm>> -> memref<64x128xf32, #tpu.memory_space<hbm>>
    %dma_wait3A_186 = arith.constant 0 : i32
    %dma_wait3A_187 = tpu.memref_slice %arg4[%add3A_183, %dma_wait3A_186] : memref<819200x128xf32, #tpu.memory_space<hbm>> -> memref<64x128xf32, #tpu.memory_space<hbm>>
    tpu.wait_dma2 semaphore(%arg28 : memref<!tpu.dma_semaphore, #tpu.memory_space<semaphore_mem>>) src(%arg8 : memref<64x128xf32, #tpu.memory_space<vmem>>) dst(%dma_wait3A_187 : memref<64x128xf32, #tpu.memory_space<hbm>>)
    %add3A_188 = arith.constant 25152 : i32
    %add3A_189 = arith.addi %mul3A_2, %add3A_188 : i32
    %dma_wait3A_190 = arith.constant 0 : i32
    %dma_wait3A_191 = tpu.memref_slice %arg4[%add3A_189, %dma_wait3A_190] : memref<819200x128xf32, #tpu.memory_space<hbm>> -> memref<64x128xf32, #tpu.memory_space<hbm>>
    %dma_wait3A_192 = arith.constant 0 : i32
    %dma_wait3A_193 = tpu.memref_slice %arg4[%add3A_189, %dma_wait3A_192] : memref<819200x128xf32, #tpu.memory_space<hbm>> -> memref<64x128xf32, #tpu.memory_space<hbm>>
    tpu.wait_dma2 semaphore(%arg29 : memref<!tpu.dma_semaphore, #tpu.memory_space<semaphore_mem>>) src(%arg9 : memref<64x128xf32, #tpu.memory_space<vmem>>) dst(%dma_wait3A_193 : memref<64x128xf32, #tpu.memory_space<hbm>>)
    %add3A_194 = arith.constant 25216 : i32
    %add3A_195 = arith.addi %mul3A_2, %add3A_194 : i32
    %dma_wait3A_196 = arith.constant 0 : i32
    %dma_wait3A_197 = tpu.memref_slice %arg4[%add3A_195, %dma_wait3A_196] : memref<819200x128xf32, #tpu.memory_space<hbm>> -> memref<64x128xf32, #tpu.memory_space<hbm>>
    %dma_wait3A_198 = arith.constant 0 : i32
    %dma_wait3A_199 = tpu.memref_slice %arg4[%add3A_195, %dma_wait3A_198] : memref<819200x128xf32, #tpu.memory_space<hbm>> -> memref<64x128xf32, #tpu.memory_space<hbm>>
    tpu.wait_dma2 semaphore(%arg30 : memref<!tpu.dma_semaphore, #tpu.memory_space<semaphore_mem>>) src(%arg10 : memref<64x128xf32, #tpu.memory_space<vmem>>) dst(%dma_wait3A_199 : memref<64x128xf32, #tpu.memory_space<hbm>>)
    %add3A_200 = arith.constant 25280 : i32
    %add3A_201 = arith.addi %mul3A_2, %add3A_200 : i32
    %dma_wait3A_202 = arith.constant 0 : i32
    %dma_wait3A_203 = tpu.memref_slice %arg4[%add3A_201, %dma_wait3A_202] : memref<819200x128xf32, #tpu.memory_space<hbm>> -> memref<64x128xf32, #tpu.memory_space<hbm>>
    %dma_wait3A_204 = arith.constant 0 : i32
    %dma_wait3A_205 = tpu.memref_slice %arg4[%add3A_201, %dma_wait3A_204] : memref<819200x128xf32, #tpu.memory_space<hbm>> -> memref<64x128xf32, #tpu.memory_space<hbm>>
    tpu.wait_dma2 semaphore(%arg31 : memref<!tpu.dma_semaphore, #tpu.memory_space<semaphore_mem>>) src(%arg11 : memref<64x128xf32, #tpu.memory_space<vmem>>) dst(%dma_wait3A_205 : memref<64x128xf32, #tpu.memory_space<hbm>>)
    %add3A_206 = arith.constant 25344 : i32
    %add3A_207 = arith.addi %mul3A_2, %add3A_206 : i32
    %dma_wait3A_208 = arith.constant 0 : i32
    %dma_wait3A_209 = tpu.memref_slice %arg4[%add3A_207, %dma_wait3A_208] : memref<819200x128xf32, #tpu.memory_space<hbm>> -> memref<64x128xf32, #tpu.memory_space<hbm>>
    %dma_wait3A_210 = arith.constant 0 : i32
    %dma_wait3A_211 = tpu.memref_slice %arg4[%add3A_207, %dma_wait3A_210] : memref<819200x128xf32, #tpu.memory_space<hbm>> -> memref<64x128xf32, #tpu.memory_space<hbm>>
    tpu.wait_dma2 semaphore(%arg32 : memref<!tpu.dma_semaphore, #tpu.memory_space<semaphore_mem>>) src(%arg12 : memref<64x128xf32, #tpu.memory_space<vmem>>) dst(%dma_wait3A_211 : memref<64x128xf32, #tpu.memory_space<hbm>>)
    %add3A_212 = arith.constant 25408 : i32
    %add3A_213 = arith.addi %mul3A_2, %add3A_212 : i32
    %dma_wait3A_214 = arith.constant 0 : i32
    %dma_wait3A_215 = tpu.memref_slice %arg4[%add3A_213, %dma_wait3A_214] : memref<819200x128xf32, #tpu.memory_space<hbm>> -> memref<64x128xf32, #tpu.memory_space<hbm>>
    %dma_wait3A_216 = arith.constant 0 : i32
    %dma_wait3A_217 = tpu.memref_slice %arg4[%add3A_213, %dma_wait3A_216] : memref<819200x128xf32, #tpu.memory_space<hbm>> -> memref<64x128xf32, #tpu.memory_space<hbm>>
    tpu.wait_dma2 semaphore(%arg33 : memref<!tpu.dma_semaphore, #tpu.memory_space<semaphore_mem>>) src(%arg13 : memref<64x128xf32, #tpu.memory_space<vmem>>) dst(%dma_wait3A_217 : memref<64x128xf32, #tpu.memory_space<hbm>>)
    %add3A_218 = arith.constant 25472 : i32
    %add3A_219 = arith.addi %mul3A_2, %add3A_218 : i32
    %dma_wait3A_220 = arith.constant 0 : i32
    %dma_wait3A_221 = tpu.memref_slice %arg4[%add3A_219, %dma_wait3A_220] : memref<819200x128xf32, #tpu.memory_space<hbm>> -> memref<64x128xf32, #tpu.memory_space<hbm>>
    %dma_wait3A_222 = arith.constant 0 : i32
    %dma_wait3A_223 = tpu.memref_slice %arg4[%add3A_219, %dma_wait3A_222] : memref<819200x128xf32, #tpu.memory_space<hbm>> -> memref<64x128xf32, #tpu.memory_space<hbm>>
    tpu.wait_dma2 semaphore(%arg34 : memref<!tpu.dma_semaphore, #tpu.memory_space<semaphore_mem>>) src(%arg14 : memref<64x128xf32, #tpu.memory_space<vmem>>) dst(%dma_wait3A_223 : memref<64x128xf32, #tpu.memory_space<hbm>>)
    %add3A_224 = arith.constant 25536 : i32
    %add3A_225 = arith.addi %mul3A_2, %add3A_224 : i32
    %dma_wait3A_226 = arith.constant 0 : i32
    %dma_wait3A_227 = tpu.memref_slice %arg4[%add3A_225, %dma_wait3A_226] : memref<819200x128xf32, #tpu.memory_space<hbm>> -> memref<64x128xf32, #tpu.memory_space<hbm>>
    %dma_wait3A_228 = arith.constant 0 : i32
    %dma_wait3A_229 = tpu.memref_slice %arg4[%add3A_225, %dma_wait3A_228] : memref<819200x128xf32, #tpu.memory_space<hbm>> -> memref<64x128xf32, #tpu.memory_space<hbm>>
    tpu.wait_dma2 semaphore(%arg35 : memref<!tpu.dma_semaphore, #tpu.memory_space<semaphore_mem>>) src(%arg15 : memref<64x128xf32, #tpu.memory_space<vmem>>) dst(%dma_wait3A_229 : memref<64x128xf32, #tpu.memory_space<hbm>>)
    return
  }
}

</mosaic_0001>

<sc_bundles>
// kernel: kernel.3.cloned.1.call-start
scs
__scs_entry_jumppad:
0x0: {  	(pc) =	sbr.rel $0x88, $3  }
0x1: {  	(tag) =	ssettag $0x0;
	lr =	simm.s32 $0x1  }
0x2: {  	[smem:$0x3F9F] =	sst lr;
	_ =	strace $0xD0000000  }
0x3: {  	_ = 	snop  }
0x4: {  	_ = 	snop  }
0x5: {  	_ = 	snop  }
0x6: {  	_ = 	snop  }
0x7: {  	_ = 	snop  }
__scs_overlays_trampoline_lowered:
0x8: {  	[smem:$0x3FAE] =	sst s0  }
0x9: {  	[smem:$0x3FAF] =	sst s1  }
0xa: {  	[smem:$0x3FB0] =	sst s2  }
0xb: {  	[smem:$0x3FB1] =	sst s3  }
0xc: {  	[smem:$0x3FB2] =	sst s4  }
0xd: {  	[smem:$0x3FB3] =	sst s5  }
0xe: {  	[smem:$0x3FB4] =	sst s6  }
0xf: {  	[smem:$0x3FB5] =	sst s7  }
0x10: {  	[smem:$0x3FB6] =	sst s8  }
0x11: {  	[smem:$0x3FB7] =	sst s9;
	s0 =	simm.s32 @!p0 $0x0  }
0x12: {  	s1 =	sld [smem:$0x3F9D];
	s0 =	simm.s32 @p0 $0x1  }
0x13: {  	[smem:$0x3FB8] =	sst s0;
	s0 =	simm.s32 @!p1 $0x0  }
0x14: {  	s2 =	sld [smem:$0x3F9C];
	s0 =	simm.s32 @p1 $0x1  }
0x15: {  	[smem:$0x3FB9] =	sst s0;
	s0 =	simm.s32 @!p2 $0x0  }
0x16: {  	s3 =	sld [smem:$0x3FDB];
	s0 =	simm.s32 @p2 $0x1  }
0x17: {  	s4 =	simm.s32 $0x1BF5;
	[smem:$0x3FBB] =	sst s0  }
0x18: {  	s0 =	sld [smem:$0x3F9E];
	_ =	swait.ge [sflag:s4], $0x0  }
0x19: {  	s7 =	sld [smem:$0x3F9F]  }
0x1a: {  	s8 =	sadd.s32 $0xFFFFE003, lr  }
0x1b: {  	s9 =	sadd.s32 $0xFFFFFEF7, lr;
	s5 =	simm.s32 $0xFFFFFFFF;
	p2 =	slt.u32 s8, $0xFFFFF086  }
0x1c: {  	p1 =	slt.u32 s9, $0xF7A;
	s5 =	simm.s32 @!p2 $0x0  }
0x1d: {  	s5 =	simm.s32 @p1 $0x1;
	p0 =	seq.s32 s7, s2  }
0x1e: {  	s7 =	smul.u32 @!p0 $0xF7A, s2;
	p2 =	seq.s32 @!p0 s5, $0x0  }
0x1f: {  	s9 =	smul.u32 $0xF7A, s1;
	s8 =	simm.s32 @!p0 $0x1BF5;
	p2 =	por !p2, p0  }
0x20: {  	[sflag:s8] =	ssyncset.s32 @!p0 $0xFFFFF086;
	s6 =	sadd.s32 @!p0 s3, s7;
	s7 =	simm.s32 @!p0 $0x108  }
0x21: {  	s3 =	sadd.s32 s3, s9;
	s6 =	sadd.s32 @!p0 $0x88, s6;
	s7 =	simm.s32 @p2 $0x1082  }
0x22: {  	[simem:s7], [sflag:s8] =	dma.local @!p0 [hbm:s6], $0xF7A  }
0x23: {  	s9 =	sor.u32 $0xD0000000, s2;
	s6 =	simm.s32 $0x108;
	_ =	swait.ge @!p0 [sflag:s8], $0x0  }
0x24: {  	s3 =	sadd.s32 $0x88, s3;
	s6 =	simm.s32 @!p1 $0x1082;
	[sflag:s4] =	ssyncset.s32 $0xFFFFF086  }
0x25: {  	[simem:s6], [sflag:s4] =	dma.local [hbm:s3], $0xF7A  }
0x26: {  	[smem:$0x3F9F] =	sst s1;
	(tag) =	ssettag s2;
	_ =	strace s9  }
0x27: {  	s1 =	sld [smem:$0x3FAF]  }
0x28: {  	s2 =	sld [smem:$0x3FB0]  }
0x29: {  	s4 =	sld [smem:$0x3FB2]  }
0x2a: {  	p0 =	seq.s32 s5, $0x0;
	s5 =	sld [smem:$0x3FB3]  }
0x2b: {  	s6 =	sld [smem:$0x3FB4]  }
0x2c: {  	s7 =	sld [smem:$0x3FB5]  }
0x2d: {  	s3 =	simm.s32 $0x108;
	s8 =	sld [smem:$0x3FB6]  }
0x2e: {  	s3 =	simm.s32 @!p0 $0x1082;
	s9 =	sld [smem:$0x3FB7]  }
0x2f: {  	lr =	sadd.s32 s0, s3;
	s0 =	sld [smem:$0x3FAE]  }
0x30: {  	s3 =	sld [smem:$0x3FB1]  }
0x31: {  	[smem:$0x3FBA] =	sst s10  }
0x32: {  	s10 =	sld [smem:$0x3FB8];
	_ =	sdelay $0x3  }
0x33: {  	p0 =	seq.s32 s10, $0x1;
	s10 =	sld [smem:$0x3FBA];
	_ =	sdelay $0x3  }
0x34: {  	[smem:$0x3FBA] =	sst s10  }
0x35: {  	s10 =	sld [smem:$0x3FB9];
	_ =	sdelay $0x3  }
0x36: {  	p1 =	seq.s32 s10, $0x1;
	s10 =	sld [smem:$0x3FBA];
	_ =	sdelay $0x3  }
0x37: {  	[smem:$0x3FBA] =	sst s10  }
0x38: {  	s10 =	sld [smem:$0x3FBB]  }
0x39: {  	_ = 	snop;
	(pc) =	sbr.ind lr, $3  }
0x3a: {  	_ = 	snop  }
0x3b: {  	_ = 	snop  }
0x3c: {  	p2 =	seq.s32 s10, $0x1;
	s10 =	sld [smem:$0x3FBA]  }
0x3d: {  	_ =	shalt  }
0x3e: {  	_ =	shalt  }
0x3f: {  	_ =	shalt  }
0x40: {  	_ =	shalt  }
0x41: {  	_ =	shalt  }
0x42: {  	_ =	shalt  }
0x43: {  	_ =	shalt  }
0x44: {  	_ =	shalt  }
0x45: {  	_ =	shalt  }
0x46: {  	_ =	shalt  }
0x47: {  	_ =	shalt  }
0x48: {  	_ =	shalt  }
0x49: {  	_ =	shalt  }
0x4a: {  	_ =	shalt  }
0x4b: {  	_ =	shalt  }
0x4c: {  	_ =	shalt  }
0x4d: {  	_ =	shalt  }
0x4e: {  	_ =	shalt  }
0x4f: {  	_ =	shalt  }
0x50: {  	_ =	shalt  }
0x51: {  	_ =	shalt  }
0x52: {  	_ =	shalt  }
0x53: {  	_ =	shalt  }
0x54: {  	_ =	shalt  }
0x55: {  	_ =	shalt  }
0x56: {  	_ =	shalt  }
0x57: {  	_ =	shalt  }
0x58: {  	_ =	shalt  }
0x59: {  	_ =	shalt  }
0x5a: {  	_ =	shalt  }
0x5b: {  	_ =	shalt  }
0x5c: {  	_ =	shalt  }
0x5d: {  	_ =	shalt  }
0x5e: {  	_ =	shalt  }
0x5f: {  	_ =	shalt  }
0x60: {  	_ =	shalt  }
0x61: {  	_ =	shalt  }
0x62: {  	_ =	shalt  }
0x63: {  	_ =	shalt  }
0x64: {  	_ =	shalt  }
0x65: {  	_ =	shalt  }
0x66: {  	_ =	shalt  }
0x67: {  	_ =	shalt  }
0x68: {  	_ =	shalt  }
0x69: {  	_ =	shalt  }
0x6a: {  	_ =	shalt  }
0x6b: {  	_ =	shalt  }
0x6c: {  	_ =	shalt  }
0x6d: {  	_ =	shalt  }
0x6e: {  	_ =	shalt  }
0x6f: {  	_ =	shalt  }
0x70: {  	_ =	shalt  }
0x71: {  	_ =	shalt  }
0x72: {  	_ =	shalt  }
0x73: {  	_ =	shalt  }
0x74: {  	_ =	shalt  }
0x75: {  	_ =	shalt  }
0x76: {  	_ =	shalt  }
0x77: {  	_ =	shalt  }
0x78: {  	_ =	shalt  }
0x79: {  	_ =	shalt  }
0x7a: {  	_ =	shalt  }
0x7b: {  	_ =	shalt  }
0x7c: {  	_ =	shalt  }
0x7d: {  	_ =	shalt  }
0x7e: {  	_ =	shalt  }
0x7f: {  	_ =	shalt  }
0x80: {  	_ =	shalt  }
0x81: {  	_ =	shalt  }
0x82: {  	_ =	shalt  }
0x83: {  	_ =	shalt  }
0x84: {  	_ =	shalt  }
0x85: {  	_ =	shalt  }
0x86: {  	_ =	shalt  }
0x87: {  	_ =	shalt  }
.Lfunc_end0:
.L_simem_size_0:
called_computation_lowered:
.L_overlay_start_0:
0x88: {  	s2 =	sld [smem:$0x3FD9]  }
0x89: {  	s3 =	sld [smem:$0x3FFE];
	_ =	sdelay $0x1  }
0x8a: {  	s1 =	srdreg.scid  }
0x8b: {  	s0 =	sand.u32 $0x1, s1  }
0x8c: {  	s17 =	sshll.u32 s0, $0xA;
	s2 =	sadd.s32 s3, s2  }
0x8d: {  	s2 =	sadd.s32 s2, s17  }
0x8e: {  	[smem:$0x3FC6] =	sst s2  }
0x8f: {  	_ = 	snop  }
0x90: {  	s2 =	sld [smem:$0x3FC9]  }
0x91: {  	s18 =	sld [smem:$0x3FD0];
	(tm) =	ssettm $0x1  }
0x92: {  	s4 =	sld [smem:$0x3FFB];
	_ =	sdelay $0x3  }
0x93: {  	_ =	strace s4  }
0x94: {  	s4 =	sld [smem:$0x3FFC];
	_ =	sdelay $0x3  }
0x95: {  	_ =	strace s4  }
0x96: {  	s4 =	sld [smem:$0x3FFD];
	_ =	sdelay $0x3  }
0x97: {  	_ =	strace s4  }
0x98: {  	_ =	strace $0x8FFFFFFF  }
0x99: {  	s19 =	sld [smem:$0x3FDB];
	_ =	sdelay $0x1  }
0x9a: {  	s5 =	simm.s32 $_scs_section_size  }
0x9b: {  	s6 =	simm.s32 $_size__tile_overlayer_lowered;
	s7 =	simm.s32 $_tile_overlayer_lowered  }
0x9c: {  	s22 =	simm.s32 $0x1BFF;
	s21 =	sshll.u32 s7, $0x1;
	s4 =	sadd.s32 s5, s19  }
0x9d: {  	s8 =	simm.s32 $0x0;
	s20 =	sshll.u32 s6, $0x1;
	s6 =	sadd.s32 s21, s4  }
0x9e: {  	[timem:s8], [sflag:s22] =	dma.local [hbm:s6], s20  }
0x9f: {  	_ =	swait.ge [sflag:s22], s20  }
0xa0: {  	s5 =	ssub.s32 $0x0, s20;
	[sflag:s22] =	ssyncset.done $0x0  }
0xa1: {  	[sflag:s22] =	ssyncadd.s32 s5;
	_ =	sdelay $0x1  }
0xa2: {  	s23 =	simm.s32 $0x1B8B  }
0xa3: {  	_ =	swait.ge [sflag:s23], $0x1  }
0xa4: {  	[sflag:s23] =	ssyncset.done $0x0  }
0xa5: {  	s25 =	simm.s32 $0x1B8E;
	s24 =	sld [smem:$0x3FFE];
	[sflag:s23] =	ssyncadd.s32 $0xFFFFFFFF  }
0xa6: {  	s26 =	simm.s32 $execute0_lowered;
	[smem:$0x3FD2] =	sst s25  }
0xa7: {  	s6 =	sshll.u32 s26, $0x1;
	_ =	strace $0x80000046;
	[dreg:$0x1] =	wrdreg $0xFFFFFFFF  }
0xa8: {  	s28 =	simm.s32 $_size_execute0_lowered;
	s4 =	sadd.s32 s4, s6;
	[dreg:$0x0] =	wrdreg $0x0  }
0xa9: {  	s6 =	sshll.u32 s28, $0x1;
	[dreg:$0x2] =	wrdreg s4  }
0xaa: {  	[dreg:$0x3] =	wrdreg s6  }
0xab: {  	[dreg:$0x4] =	wrdreg $0xC0  }
0xac: {  	_ =	task [dreg:s8], $0x5FFFF  }
0xad: {  	[dreg:$0x1] =	wrdreg $0xFFFFFFFF  }
0xae: {  	[dreg:$0x0] =	wrdreg $0x60  }
0xaf: {  	[dreg:$0x2] =	wrdreg s2  }
0xb0: {  	[dreg:$0x3] =	wrdreg s24  }
0xb1: {  	[dreg:$0x4] =	wrdreg s18  }
0xb2: {  	[dreg:$0x5] =	wrdreg $0x9  }
0xb3: {  	_ =	task.clear_ibuf [dreg:s8], $0x6FFFF;
	_ =	strace $0x90000046  }
0xb4: {  	s29 =	simm.s32 $0x9;
	_ =	strace $0x80000048  }
0xb5: {  	_ =	swait.ge [sflag:s29], $0x1  }
0xb6: {  	[sflag:s29] =	ssyncadd.s32 $0xFFFFFFFF  }
0xb7: {  	_ =	strace $0x90000048  }
0xb8: {  	_ =	sfence  }
0xb9: {  	s30 =	sld [smem:$0x0];
	_ =	sdelay $0x2  }
0xba: {  	s31 =	sshll.u32 s1, $0xD;
	s1 =	sshrl.u32 s1, $0x2  }
0xbb: {  	s3 =	sand.u32 $0x4000, s31;
	s1 =	sadd.s32 s1, s30  }
0xbc: {  	s0 =	sor.u32 s3, s0;
	s1 =	sshll.u32 s1, $0x11  }
0xbd: {  	s0 =	sor.u32 s1, s0  }
0xbe: {  	s0 =	sadd.s32 $0x8F2B, s0  }
0xbf: {  	[sflag:s0] =	ssyncadd.remote.s32 $0x1  }
0xc0: {  	_ =	sfence.sel $0xFFFF  }
0xc1: {  	[dreg:$0x0] =	wrdreg $0xFFFFFFFF;
	(pc) =	sbr.abs _section_cstart, $3  }
0xc2: {  	[dreg:$0x1] =	wrdreg $0xFFFFFFFF  }
0xc3: {  	_ =	task.clear_ibuf [dreg:s8], $0x2FFFF;
	_ =	strace $0x9FFFFFFF  }
0xc4: {  	(tm) =	ssettm $0x7FFFFFFF  }
0xc5: {  	_ =	shalt  }
tec
execute0_lowered:
.L_overlay_start_1:
0x0: {  	(tag) =	ssettag $0x1  }
0x1: {  	s0 =	srdreg.scid;
	s1 =	rddreg [dreg:$0x0]  }
0x2: {  	s9 =	stileid.u32;
	s4 =	rddreg [dreg:$0x1]  }
0x3: {  	s5 =	rddreg [dreg:$0x2];
	s3 =	simm.s32 $0x0;
	s28 =	simm.s32 $0x1  }
0x4: {  	s10 =	simm.s32 $0x5;
	s12 =	simm.s32 $0x9;
	s13 =	simm.s32 $0xE  }
0x5: {  	s14 =	simm.s32 $0xA;
	s15 =	simm.s32 $0xF;
	s17 =	simm.s32 $0x11  }
0x6: {  	s16 =	simm.s32 $0x12;
	s0 =	sand.u32 $0x1, s0;
	s2 =	sshll.u32 s9, $0x1  }
0x7: {  	s31 =	simm.s32 $0x1;
	s23 =	smul.u32 $0xC8000, s9;
	s2 =	sor.u32 s0, s2  }
0x8: {  	[smem:$0x7FF] =	sst s3;
	s9 =	simm.s32 $0x4;
	s7 =	smul.u32 $0x64000, s2  }
0x9: {  	_ =	strace $0x80000047;
	s18 =	ssub.s32 $0x2, s0;
	s0 =	smul.u32 $0x64000, s0  }
0xa: {  	s6 =	smul.u32 $0x6400, s2;
	s8 =	sshrl.u32 s18, $0x1;
	s7 =	sadd.s32 s5, s7  }
0xb: {  	s2 =	smul.u32 $0x320000, s2;
	s19 =	sadd.s32 $0x400, s7;
	[dreg:$0x4] =	wrdreg s7  }
0xc: {  	s6 =	sshrl.u32 s6, $0x3;
	s20 =	sadd.s32 $0x800, s7;
	[dreg:$0x6] =	wrdreg s19  }
0xd: {  	s2 =	sshrl.u32 s2, $0x3;
	s21 =	sadd.s32 $0xC00, s7;
	[dreg:$0x7] =	wrdreg s20  }
0xe: {  	s4 =	sadd.s32 s6, s4;
	s22 =	sadd.s32 $0x1000, s7;
	[dreg:$0x8] =	wrdreg s21  }
0xf: {  	s2 =	sadd.s32 s5, s2;
	s4 =	sadd.s32 $0x400, s4;
	[dreg:$0x9] =	wrdreg s22  }
0x10: {  	s6 =	ssub.s32 s18, s8;
	s24 =	sadd.s32 $0x62C00, s2;
	[dreg:$0x5] =	wrdreg s4  }
0x11: {  	s18 =	simm.s32 $0x40;
	s25 =	sadd.s32 $0x63000, s2;
	[dreg:$0xa] =	wrdreg s24  }
0x12: {  	s7 =	simm.s32 $0x3;
	s26 =	sadd.s32 $0x63400, s2;
	[dreg:$0xb] =	wrdreg s25  }
0x13: {  	s29 =	sadd.s32 $0x63800, s2;
	s2 =	sadd.s32 $0x63C00, s2;
	[dreg:$0xc] =	wrdreg s26  }
0x14: {  	s30 =	smax.u32 s6, $0x1;
	s19 =	simm.s32 $0x13;
	[dreg:$0xd] =	wrdreg s29  }
0x15: {  	s20 =	simm.s32 $0x14;
	s6 =	simm.s32 $0x0;
	[dreg:$0xe] =	wrdreg s2  }
0x16: {  	s4 =	sadd.s32 s23, s5;
	[dreg:$0xf] =	wrdreg s30;
	s25 =	simm.s32 $0x8400  }
0x17: {  	s23 =	simm.s32 $0xA400;
	s5 =	simm.s32 $0xC400;
	s0 =	sadd.s32 s0, s4  }
0x18: {  	s26 =	simm.s32 $0xE400;
	s2 =	simm.s32 $0x2;
	s0 =	sadd.s32 $0x1C00, s0  }
0x19: {  	s4 =	simm.s32 $0x10;
	[dreg:$0x10] =	wrdreg s0;
	s0 =	simm.s32 $0x6400  }
.LBB2_1:
0x1a: {  	[dreg:$0x11] =	wrdreg s6  }
0x1b: {  	s22 =	rddreg [dreg:$0x5];
	s21 =	simm.s32 $0x15  }
0x1c: {  	[tilespmem:s3], [sflag:$0x15] =	stream.linear.gather [hbm4b:s22+s3], $0x6400, $0x38;
	[tilespmem:$0x1A400] =	vst v63  }
0x1d: {  	_ =	swait.ge [sflag:s21], $0x6400  }
0x1e: {  	[sflag:s21] =	ssyncset.done $0x0  }
0x1f: {  	[sflag:s21] =	ssyncadd.s32 $0xFFFF9C00  }
0x20: {  	[tilespmem:s0], [sflag:$0x1] =	stream.indirect.gather [hbm4b:s1+s18], $0x80, s3, s18, $0xb8;
	[tilespmem:$0x1A400] =	vst v63  }
0x21: {  	_ = 	snop  }
0x22: {  	[tilespmem:s25], [sflag:$0x2] =	stream.indirect.gather [hbm4b:s1+s18], $0x80, s18, s18, $0xb8;
	[tilespmem:$0x1A400] =	vst v63  }
0x23: {  	s24 =	simm.s32 $0x80  }
0x24: {  	[tilespmem:s23], [sflag:$0x3] =	stream.indirect.gather [hbm4b:s1+s18], $0x80, s24, s18, $0xb8;
	[tilespmem:$0x1A400] =	vst v63  }
0x25: {  	s29 =	simm.s32 $0xC0  }
0x26: {  	[tilespmem:s5], [sflag:$0x4] =	stream.indirect.gather [hbm4b:s1+s18], $0x80, s29, s18, $0xb8;
	[tilespmem:$0x1A400] =	vst v63  }
0x27: {  	s30 =	simm.s32 $0x100  }
0x28: {  	[tilespmem:s26], [sflag:$0x5] =	stream.indirect.gather [hbm4b:s1+s18], $0x80, s30, s18, $0xb8;
	[tilespmem:$0x1A400] =	vst v63  }
0x29: {  	_ =	swait.ge [sflag:s28], $0x2000  }
0x2a: {  	[sflag:s28] =	ssyncset.done $0x0  }
0x2b: {  	s6 =	rddreg [dreg:$0x4];
	[sflag:s28] =	ssyncadd.s32 $0xFFFFE000  }
0x2c: {  	[hbm4b:s6+s3] =	stream.linear.scatter [tilespmem:s0], [sflag:$0xB], $0x2000, $0x38;
	[tilespmem:$0x1A400] =	vst v63  }
0x2d: {  	s8 =	simm.s32 $0x140;
	s21 =	simm.s32 $0x10400  }
0x2e: {  	[tilespmem:s21], [sflag:$0x6] =	stream.indirect.gather [hbm4b:s1+s18], $0x80, s8, s18, $0xb8;
	[tilespmem:$0x1A400] =	vst v63  }
0x2f: {  	_ =	swait.ge [sflag:s2], $0x2000  }
0x30: {  	[sflag:s2] =	ssyncset.done $0x0  }
0x31: {  	s11 =	rddreg [dreg:$0x6];
	[sflag:s2] =	ssyncadd.s32 $0xFFFFE000  }
0x32: {  	[hbm4b:s11+s3] =	stream.linear.scatter [tilespmem:s25], [sflag:$0xC], $0x2000, $0x38;
	[tilespmem:$0x1A400] =	vst v63  }
0x33: {  	s24 =	simm.s32 $0x180;
	s6 =	simm.s32 $0x12400  }
0x34: {  	[tilespmem:s6], [sflag:$0x7] =	stream.indirect.gather [hbm4b:s1+s18], $0x80, s24, s18, $0xb8;
	[tilespmem:$0x1A400] =	vst v63  }
0x35: {  	_ =	swait.ge [sflag:s7], $0x2000  }
0x36: {  	[sflag:s7] =	ssyncset.done $0x0  }
0x37: {  	s29 =	rddreg [dreg:$0x7];
	[sflag:s7] =	ssyncadd.s32 $0xFFFFE000  }
0x38: {  	[hbm4b:s29+s3] =	stream.linear.scatter [tilespmem:s23], [sflag:$0xD], $0x2000, $0x38;
	[tilespmem:$0x1A400] =	vst v63  }
0x39: {  	s30 =	simm.s32 $0x1C0;
	s8 =	simm.s32 $0x14400  }
0x3a: {  	[tilespmem:s8], [sflag:$0x8] =	stream.indirect.gather [hbm4b:s1+s18], $0x80, s30, s18, $0xb8;
	[tilespmem:$0x1A400] =	vst v63  }
0x3b: {  	_ =	swait.ge [sflag:s9], $0x2000  }
0x3c: {  	[sflag:s9] =	ssyncset.done $0x0  }
0x3d: {  	s11 =	rddreg [dreg:$0x8];
	[sflag:s9] =	ssyncadd.s32 $0xFFFFE000  }
0x3e: {  	[hbm4b:s11+s3] =	stream.linear.scatter [tilespmem:s5], [sflag:$0xE], $0x2000, $0x38;
	[tilespmem:$0x1A400] =	vst v63  }
0x3f: {  	s24 =	simm.s32 $0x200;
	s11 =	simm.s32 $0x16400  }
0x40: {  	[tilespmem:s11], [sflag:$0x9] =	stream.indirect.gather [hbm4b:s1+s18], $0x80, s24, s18, $0xb8;
	[tilespmem:$0x1A400] =	vst v63  }
0x41: {  	_ =	swait.ge [sflag:s10], $0x2000  }
0x42: {  	[sflag:s10] =	ssyncset.done $0x0  }
0x43: {  	s29 =	rddreg [dreg:$0x9];
	[sflag:s10] =	ssyncadd.s32 $0xFFFFE000  }
0x44: {  	[hbm4b:s29+s3] =	stream.linear.scatter [tilespmem:s26], [sflag:$0xF], $0x2000, $0x38;
	[tilespmem:$0x1A400] =	vst v63  }
0x45: {  	s30 =	simm.s32 $0x240;
	s24 =	simm.s32 $0x6;
	s29 =	simm.s32 $0x18400  }
0x46: {  	[tilespmem:s29], [sflag:$0xA] =	stream.indirect.gather [hbm4b:s1+s18], $0x80, s30, s18, $0xb8;
	[tilespmem:$0x1A400] =	vst v63  }
0x47: {  	_ =	swait.ge [sflag:s24], $0x2000  }
0x48: {  	[sflag:s24] =	ssyncset.done $0x0  }
0x49: {  	[sflag:s24] =	ssyncadd.s32 $0xFFFFE000;
	s24 =	rddreg [dreg:$0x10]  }
0x4a: {  	s30 =	sadd.s32 $0xFFFFF800, s24  }
0x4b: {  	[hbm4b:s30+s3] =	stream.linear.scatter [tilespmem:s21], [sflag:$0x10], $0x2000, $0x38;
	[tilespmem:$0x1A400] =	vst v63  }
0x4c: {  	s30 =	simm.s32 $0xB  }
0x4d: {  	_ =	swait.ge [sflag:s30], $0x2000  }
0x4e: {  	[sflag:s30] =	ssyncset.done $0x0  }
0x4f: {  	[sflag:s30] =	ssyncadd.s32 $0xFFFFE000;
	s30 =	simm.s32 $0x280  }
0x50: {  	[tilespmem:s0], [sflag:$0x1] =	stream.indirect.gather [hbm4b:s1+s18], $0x80, s30, s18, $0xb8;
	[tilespmem:$0x1A400] =	vst v63  }
0x51: {  	s30 =	simm.s32 $0x7  }
0x52: {  	_ =	swait.ge [sflag:s30], $0x2000  }
0x53: {  	[sflag:s30] =	ssyncset.done $0x0  }
0x54: {  	[sflag:s30] =	ssyncadd.s32 $0xFFFFE000;
	s30 =	sadd.s32 $0xFFFFFC00, s24  }
0x55: {  	[hbm4b:s30+s3] =	stream.linear.scatter [tilespmem:s6], [sflag:$0x11], $0x2000, $0x38;
	[tilespmem:$0x1A400] =	vst v63  }
0x56: {  	s30 =	simm.s32 $0xC  }
0x57: {  	_ =	swait.ge [sflag:s30], $0x2000  }
0x58: {  	[sflag:s30] =	ssyncset.done $0x0  }
0x59: {  	[sflag:s30] =	ssyncadd.s32 $0xFFFFE000;
	s30 =	simm.s32 $0x2C0  }
0x5a: {  	[tilespmem:s25], [sflag:$0x2] =	stream.indirect.gather [hbm4b:s1+s18], $0x80, s30, s18, $0xb8;
	[tilespmem:$0x1A400] =	vst v63  }
0x5b: {  	s30 =	simm.s32 $0x8  }
0x5c: {  	_ =	swait.ge [sflag:s30], $0x2000  }
0x5d: {  	[sflag:s30] =	ssyncset.done $0x0  }
0x5e: {  	[sflag:s30] =	ssyncadd.s32 $0xFFFFE000;
	s30 =	simm.s32 $0xD  }
0x5f: {  	[hbm4b:s24+s3] =	stream.linear.scatter [tilespmem:s8], [sflag:$0x12], $0x2000, $0x38;
	[tilespmem:$0x1A400] =	vst v63  }
0x60: {  	_ =	swait.ge [sflag:s30], $0x2000  }
0x61: {  	[sflag:s30] =	ssyncset.done $0x0  }
0x62: {  	[sflag:s30] =	ssyncadd.s32 $0xFFFFE000;
	s30 =	simm.s32 $0x300  }
0x63: {  	[tilespmem:s23], [sflag:$0x3] =	stream.indirect.gather [hbm4b:s1+s18], $0x80, s30, s18, $0xb8;
	[tilespmem:$0x1A400] =	vst v63  }
0x64: {  	_ =	swait.ge [sflag:s12], $0x2000  }
0x65: {  	[sflag:s12] =	ssyncset.done $0x0  }
0x66: {  	s30 =	sadd.s32 $0x400, s24;
	[sflag:s12] =	ssyncadd.s32 $0xFFFFE000  }
0x67: {  	[hbm4b:s30+s3] =	stream.linear.scatter [tilespmem:s11], [sflag:$0x13], $0x2000, $0x38;
	[tilespmem:$0x1A400] =	vst v63  }
0x68: {  	_ =	swait.ge [sflag:s13], $0x2000  }
0x69: {  	[sflag:s13] =	ssyncset.done $0x0  }
0x6a: {  	s30 =	simm.s32 $0x340;
	[sflag:s13] =	ssyncadd.s32 $0xFFFFE000  }
0x6b: {  	[tilespmem:s5], [sflag:$0x4] =	stream.indirect.gather [hbm4b:s1+s18], $0x80, s30, s18, $0xb8;
	[tilespmem:$0x1A400] =	vst v63  }
0x6c: {  	_ =	swait.ge [sflag:s14], $0x2000  }
0x6d: {  	[sflag:s14] =	ssyncset.done $0x0  }
0x6e: {  	s30 =	sadd.s32 $0x800, s24;
	[sflag:s14] =	ssyncadd.s32 $0xFFFFE000  }
0x6f: {  	[hbm4b:s30+s3] =	stream.linear.scatter [tilespmem:s29], [sflag:$0x14], $0x2000, $0x38;
	[tilespmem:$0x1A400] =	vst v63  }
0x70: {  	_ =	swait.ge [sflag:s15], $0x2000  }
0x71: {  	[sflag:s15] =	ssyncset.done $0x0  }
0x72: {  	s30 =	simm.s32 $0x380;
	[sflag:s15] =	ssyncadd.s32 $0xFFFFE000  }
0x73: {  	[tilespmem:s26], [sflag:$0x5] =	stream.indirect.gather [hbm4b:s1+s18], $0x80, s30, s18, $0xb8;
	[tilespmem:$0x1A400] =	vst v63  }
0x74: {  	_ =	swait.ge [sflag:s28], $0x2000  }
0x75: {  	[sflag:s28] =	ssyncset.done $0x0  }
0x76: {  	s29 =	sadd.s32 $0xC00, s24;
	[sflag:s28] =	ssyncadd.s32 $0xFFFFE000  }
0x77: {  	[hbm4b:s29+s3] =	stream.linear.scatter [tilespmem:s0], [sflag:$0xB], $0x2000, $0x38;
	[tilespmem:$0x1A400] =	vst v63  }
0x78: {  	_ =	swait.ge [sflag:s4], $0x2000  }
0x79: {  	[sflag:s4] =	ssyncset.done $0x0  }
0x7a: {  	s30 =	simm.s32 $0x3C0;
	[sflag:s4] =	ssyncadd.s32 $0xFFFFE000  }
0x7b: {  	[tilespmem:s21], [sflag:$0x6] =	stream.indirect.gather [hbm4b:s1+s18], $0x80, s30, s18, $0xb8;
	[tilespmem:$0x1A400] =	vst v63  }
0x7c: {  	_ =	swait.ge [sflag:s2], $0x2000  }
0x7d: {  	[sflag:s2] =	ssyncset.done $0x0  }
0x7e: {  	s0 =	sadd.s32 $0x1000, s24;
	[sflag:s2] =	ssyncadd.s32 $0xFFFFE000  }
0x7f: {  	[hbm4b:s0+s3] =	stream.linear.scatter [tilespmem:s25], [sflag:$0xC], $0x2000, $0x38;
	[tilespmem:$0x1A400] =	vst v63  }
0x80: {  	_ =	swait.ge [sflag:s17], $0x2000  }
0x81: {  	[sflag:s17] =	ssyncset.done $0x0  }
0x82: {  	s2 =	simm.s32 $0x400;
	[sflag:s17] =	ssyncadd.s32 $0xFFFFE000  }
0x83: {  	[tilespmem:s6], [sflag:$0x7] =	stream.indirect.gather [hbm4b:s1+s18], $0x80, s2, s18, $0xb8;
	[tilespmem:$0x1A400] =	vst v63  }
0x84: {  	_ =	swait.ge [sflag:s7], $0x2000  }
0x85: {  	[sflag:s7] =	ssyncset.done $0x0  }
0x86: {  	s21 =	sadd.s32 $0x1400, s24;
	[sflag:s7] =	ssyncadd.s32 $0xFFFFE000  }
0x87: {  	[hbm4b:s21+s3] =	stream.linear.scatter [tilespmem:s23], [sflag:$0xD], $0x2000, $0x38;
	[tilespmem:$0x1A400] =	vst v63  }
0x88: {  	_ =	swait.ge [sflag:s16], $0x2000  }
0x89: {  	[sflag:s16] =	ssyncset.done $0x0  }
0x8a: {  	s23 =	simm.s32 $0x440;
	[sflag:s16] =	ssyncadd.s32 $0xFFFFE000  }
0x8b: {  	[tilespmem:s8], [sflag:$0x8] =	stream.indirect.gather [hbm4b:s1+s18], $0x80, s23, s18, $0xb8;
	[tilespmem:$0x1A400] =	vst v63  }
0x8c: {  	_ =	swait.ge [sflag:s9], $0x2000  }
0x8d: {  	[sflag:s9] =	ssyncset.done $0x0  }
0x8e: {  	s25 =	sadd.s32 $0x1800, s24;
	[sflag:s9] =	ssyncadd.s32 $0xFFFFE000  }
0x8f: {  	[hbm4b:s25+s3] =	stream.linear.scatter [tilespmem:s5], [sflag:$0xE], $0x2000, $0x38;
	[tilespmem:$0x1A400] =	vst v63  }
0x90: {  	_ =	swait.ge [sflag:s19], $0x2000  }
0x91: {  	[sflag:s19] =	ssyncset.done $0x0  }
0x92: {  	s22 =	simm.s32 $0xA00;
	s29 =	simm.s32 $0x480;
	[sflag:s19] =	ssyncadd.s32 $0xFFFFE000  }
0x93: {  	[tilespmem:s11], [sflag:$0x9] =	stream.indirect.gather [hbm4b:s1+s18], $0x80, s29, s18, $0xb8;
	[tilespmem:$0x1A400] =	vst v63  }
0x94: {  	s28 =	simm.s32 $0xE400;
	s30 =	sadd.s32 $0x1C00, s24;
	_ =	swait.ge [sflag:s10], $0x2000  }
0x95: {  	s0 =	simm.s32 $0x6400;
	s24 =	sadd.s32 $0x2800, s24;
	[sflag:s10] =	ssyncset.done $0x0  }
0x96: {  	s2 =	simm.s32 $0x2;
	s7 =	simm.s32 $0x3;
	[sflag:s10] =	ssyncadd.s32 $0xFFFFE000  }
0x97: {  	[hbm4b:s30+s3] =	stream.linear.scatter [tilespmem:s26], [sflag:$0xF], $0x2000, $0x38;
	[tilespmem:$0x1A400] =	vst v63  }
0x98: {  	s23 =	simm.s32 $0xA400;
	s9 =	simm.s32 $0x4;
	_ =	swait.ge [sflag:s20], $0x2000  }
0x99: {  	s25 =	simm.s32 $0x8400;
	s5 =	simm.s32 $0xC400;
	[sflag:s20] =	ssyncset.done $0x0  }
0x9a: {  	s10 =	simm.s32 $0x5;
	s26 =	simm.s32 $0x4C0;
	[sflag:s20] =	ssyncadd.s32 $0xFFFFE000  }
.LBB2_2:
0x9b: {  	s29 =	simm.s32 $0x18400  }
0x9c: {  	[tilespmem:s29], [sflag:$0xA] =	stream.indirect.gather [hbm4b:s1+s18], $0x80, s26, s18, $0xb8;
	[tilespmem:$0x1A400] =	vst v63  }
0x9d: {  	s6 =	simm.s32 $0x6;
	s26 =	smov.u32 s22  }
0x9e: {  	p0 =	sne.s32 s22, $0x17C00;
	s22 =	sadd.s32 $0xA00, s22;
	_ =	swait.ge [sflag:s6], $0x2000  }
0x9f: {  	s30 =	sadd.s32 $0xFFFFF800, s24;
	[sflag:s6] =	ssyncset.done $0x0  }
0xa0: {  	s21 =	simm.s32 $0x10400;
	[sflag:s6] =	ssyncadd.s32 $0xFFFFE000;
	s6 =	simm.s32 $0xB  }
0xa1: {  	[hbm4b:s30+s3] =	stream.linear.scatter [tilespmem:s21], [sflag:$0x10], $0x2000, $0x38;
	[tilespmem:$0x1A400] =	vst v63  }
0xa2: {  	_ =	swait.ge [sflag:s6], $0x2000  }
0xa3: {  	s26 =	sshra.s32 s26, $0x2;
	[sflag:s6] =	ssyncset.done $0x0  }
0xa4: {  	s30 =	sadd.s32 $0x280, s26;
	[sflag:s6] =	ssyncadd.s32 $0xFFFFE000;
	s6 =	simm.s32 $0x7  }
0xa5: {  	[tilespmem:s0], [sflag:$0x1] =	stream.indirect.gather [hbm4b:s1+s18], $0x80, s30, s18, $0xb8;
	[tilespmem:$0x1A400] =	vst v63  }
0xa6: {  	_ =	swait.ge [sflag:s6], $0x2000  }
0xa7: {  	s8 =	simm.s32 $0xC;
	[sflag:s6] =	ssyncset.done $0x0  }
0xa8: {  	s30 =	sadd.s32 $0xFFFFFC00, s24;
	[sflag:s6] =	ssyncadd.s32 $0xFFFFE000;
	s6 =	simm.s32 $0x12400  }
0xa9: {  	[hbm4b:s30+s3] =	stream.linear.scatter [tilespmem:s6], [sflag:$0x11], $0x2000, $0x38;
	[tilespmem:$0x1A400] =	vst v63  }
0xaa: {  	_ =	swait.ge [sflag:s8], $0x2000  }
0xab: {  	[sflag:s8] =	ssyncset.done $0x0  }
0xac: {  	s30 =	sadd.s32 $0x2C0, s26;
	[sflag:s8] =	ssyncadd.s32 $0xFFFFE000;
	s8 =	simm.s32 $0x8  }
0xad: {  	[tilespmem:s25], [sflag:$0x2] =	stream.indirect.gather [hbm4b:s1+s18], $0x80, s30, s18, $0xb8;
	[tilespmem:$0x1A400] =	vst v63  }
0xae: {  	_ =	swait.ge [sflag:s8], $0x2000  }
0xaf: {  	[sflag:s8] =	ssyncset.done $0x0  }
0xb0: {  	s11 =	simm.s32 $0xD;
	[sflag:s8] =	ssyncadd.s32 $0xFFFFE000;
	s8 =	simm.s32 $0x14400  }
0xb1: {  	[hbm4b:s24+s3] =	stream.linear.scatter [tilespmem:s8], [sflag:$0x12], $0x2000, $0x38;
	[tilespmem:$0x1A400] =	vst v63  }
0xb2: {  	_ =	swait.ge [sflag:s11], $0x2000  }
0xb3: {  	[sflag:s11] =	ssyncset.done $0x0  }
0xb4: {  	s30 =	sadd.s32 $0x300, s26;
	[sflag:s11] =	ssyncadd.s32 $0xFFFFE000  }
0xb5: {  	[tilespmem:s23], [sflag:$0x3] =	stream.indirect.gather [hbm4b:s1+s18], $0x80, s30, s18, $0xb8;
	[tilespmem:$0x1A400] =	vst v63  }
0xb6: {  	_ =	swait.ge [sflag:s12], $0x2000  }
0xb7: {  	[sflag:s12] =	ssyncset.done $0x0  }
0xb8: {  	s11 =	simm.s32 $0x16400;
	s30 =	sadd.s32 $0x400, s24;
	[sflag:s12] =	ssyncadd.s32 $0xFFFFE000  }
0xb9: {  	[hbm4b:s30+s3] =	stream.linear.scatter [tilespmem:s11], [sflag:$0x13], $0x2000, $0x38;
	[tilespmem:$0x1A400] =	vst v63  }
0xba: {  	_ =	swait.ge [sflag:s13], $0x2000  }
0xbb: {  	[sflag:s13] =	ssyncset.done $0x0  }
0xbc: {  	s30 =	sadd.s32 $0x340, s26;
	[sflag:s13] =	ssyncadd.s32 $0xFFFFE000  }
0xbd: {  	[tilespmem:s5], [sflag:$0x4] =	stream.indirect.gather [hbm4b:s1+s18], $0x80, s30, s18, $0xb8;
	[tilespmem:$0x1A400] =	vst v63  }
0xbe: {  	_ =	swait.ge [sflag:s14], $0x2000  }
0xbf: {  	[sflag:s14] =	ssyncset.done $0x0  }
0xc0: {  	s30 =	sadd.s32 $0x800, s24;
	[sflag:s14] =	ssyncadd.s32 $0xFFFFE000  }
0xc1: {  	[hbm4b:s30+s3] =	stream.linear.scatter [tilespmem:s29], [sflag:$0x14], $0x2000, $0x38;
	[tilespmem:$0x1A400] =	vst v63  }
0xc2: {  	_ =	swait.ge [sflag:s15], $0x2000  }
0xc3: {  	[sflag:s15] =	ssyncset.done $0x0  }
0xc4: {  	s30 =	sadd.s32 $0x380, s26;
	[sflag:s15] =	ssyncadd.s32 $0xFFFFE000  }
0xc5: {  	[tilespmem:s28], [sflag:$0x5] =	stream.indirect.gather [hbm4b:s1+s18], $0x80, s30, s18, $0xb8;
	[tilespmem:$0x1A400] =	vst v63  }
0xc6: {  	_ =	swait.ge [sflag:s31], $0x2000  }
0xc7: {  	[sflag:s31] =	ssyncset.done $0x0  }
0xc8: {  	s30 =	sadd.s32 $0xC00, s24;
	[sflag:s31] =	ssyncadd.s32 $0xFFFFE000  }
0xc9: {  	[hbm4b:s30+s3] =	stream.linear.scatter [tilespmem:s0], [sflag:$0xB], $0x2000, $0x38;
	[tilespmem:$0x1A400] =	vst v63  }
0xca: {  	_ =	swait.ge [sflag:s4], $0x2000  }
0xcb: {  	[sflag:s4] =	ssyncset.done $0x0  }
0xcc: {  	s29 =	simm.s32 $0x10400;
	s30 =	sadd.s32 $0x3C0, s26;
	[sflag:s4] =	ssyncadd.s32 $0xFFFFE000  }
0xcd: {  	[tilespmem:s21], [sflag:$0x6] =	stream.indirect.gather [hbm4b:s1+s18], $0x80, s30, s18, $0xb8;
	[tilespmem:$0x1A400] =	vst v63  }
0xce: {  	_ =	swait.ge [sflag:s2], $0x2000  }
0xcf: {  	[sflag:s2] =	ssyncset.done $0x0  }
0xd0: {  	s30 =	sadd.s32 $0x1000, s24;
	[sflag:s2] =	ssyncadd.s32 $0xFFFFE000  }
0xd1: {  	[hbm4b:s30+s3] =	stream.linear.scatter [tilespmem:s25], [sflag:$0xC], $0x2000, $0x38;
	[tilespmem:$0x1A400] =	vst v63  }
0xd2: {  	_ =	swait.ge [sflag:s17], $0x2000  }
0xd3: {  	[sflag:s17] =	ssyncset.done $0x0  }
0xd4: {  	s21 =	simm.s32 $0x12400;
	s30 =	sadd.s32 $0x400, s26;
	[sflag:s17] =	ssyncadd.s32 $0xFFFFE000  }
0xd5: {  	[tilespmem:s6], [sflag:$0x7] =	stream.indirect.gather [hbm4b:s1+s18], $0x80, s30, s18, $0xb8;
	[tilespmem:$0x1A400] =	vst v63  }
0xd6: {  	_ =	swait.ge [sflag:s7], $0x2000  }
0xd7: {  	[sflag:s7] =	ssyncset.done $0x0  }
0xd8: {  	s30 =	sadd.s32 $0x1400, s24;
	[sflag:s7] =	ssyncadd.s32 $0xFFFFE000  }
0xd9: {  	[hbm4b:s30+s3] =	stream.linear.scatter [tilespmem:s23], [sflag:$0xD], $0x2000, $0x38;
	[tilespmem:$0x1A400] =	vst v63  }
0xda: {  	_ =	swait.ge [sflag:s16], $0x2000  }
0xdb: {  	[sflag:s16] =	ssyncset.done $0x0  }
0xdc: {  	s6 =	simm.s32 $0x14400;
	s30 =	sadd.s32 $0x440, s26;
	[sflag:s16] =	ssyncadd.s32 $0xFFFFE000  }
0xdd: {  	[tilespmem:s8], [sflag:$0x8] =	stream.indirect.gather [hbm4b:s1+s18], $0x80, s30, s18, $0xb8;
	[tilespmem:$0x1A400] =	vst v63  }
0xde: {  	_ =	swait.ge [sflag:s9], $0x2000  }
0xdf: {  	[sflag:s9] =	ssyncset.done $0x0  }
0xe0: {  	s30 =	sadd.s32 $0x1800, s24;
	[sflag:s9] =	ssyncadd.s32 $0xFFFFE000  }
0xe1: {  	[hbm4b:s30+s3] =	stream.linear.scatter [tilespmem:s5], [sflag:$0xE], $0x2000, $0x38;
	[tilespmem:$0x1A400] =	vst v63  }
0xe2: {  	_ =	swait.ge [sflag:s19], $0x2000  }
0xe3: {  	[sflag:s19] =	ssyncset.done $0x0  }
0xe4: {  	s8 =	simm.s32 $0x16400;
	s30 =	sadd.s32 $0x480, s26;
	[sflag:s19] =	ssyncadd.s32 $0xFFFFE000  }
0xe5: {  	[tilespmem:s11], [sflag:$0x9] =	stream.indirect.gather [hbm4b:s1+s18], $0x80, s30, s18, $0xb8;
	[tilespmem:$0x1A400] =	vst v63  }
0xe6: {  	_ =	swait.ge [sflag:s10], $0x2000  }
0xe7: {  	[sflag:s10] =	ssyncset.done $0x0  }
.Ltmp0:
0xe8: {  	s30 =	sadd.s32 $0x1C00, s24;
	[sflag:s10] =	ssyncadd.s32 $0xFFFFE000;
	(pc) =	sbr.rel @p0 .LBB2_2-.Ltmp0, $4  }
0xe9: {  	[hbm4b:s30+s3] =	stream.linear.scatter [tilespmem:s28], [sflag:$0xF], $0x2000, $0x38;
	[tilespmem:$0x1A400] =	vst v63  }
0xea: {  	_ =	swait.ge [sflag:s20], $0x2000  }
0xeb: {  	[sflag:s20] =	ssyncset.done $0x0  }
0xec: {  	s26 =	sadd.s32 $0x4C0, s26;
	s24 =	sadd.s32 $0x2800, s24;
	[sflag:s20] =	ssyncadd.s32 $0xFFFFE000  }
0xed: {  	s2 =	simm.s32 $0x18400;
	s0 =	simm.s32 $0x6  }
0xee: {  	[tilespmem:s2], [sflag:$0xA] =	stream.indirect.gather [hbm4b:s1+s18], $0x80, s26, s18, $0xb8;
	[tilespmem:$0x1A400] =	vst v63  }
0xef: {  	_ =	swait.ge [sflag:s0], $0x2000  }
0xf0: {  	[sflag:s0] =	ssyncset.done $0x0  }
0xf1: {  	s7 =	simm.s32 $0x7;
	s22 =	rddreg [dreg:$0xa];
	[sflag:s0] =	ssyncadd.s32 $0xFFFFE000  }
0xf2: {  	[hbm4b:s22+s3] =	stream.linear.scatter [tilespmem:s29], [sflag:$0x10], $0x2000, $0x38;
	[tilespmem:$0x1A400] =	vst v63  }
0xf3: {  	_ =	swait.ge [sflag:s7], $0x2000  }
0xf4: {  	[sflag:s7] =	ssyncset.done $0x0  }
0xf5: {  	s10 =	simm.s32 $0x8;
	s9 =	rddreg [dreg:$0xb];
	[sflag:s7] =	ssyncadd.s32 $0xFFFFE000  }
0xf6: {  	[hbm4b:s9+s3] =	stream.linear.scatter [tilespmem:s21], [sflag:$0x11], $0x2000, $0x38;
	[tilespmem:$0x1A400] =	vst v63  }
0xf7: {  	_ =	swait.ge [sflag:s10], $0x2000  }
0xf8: {  	[sflag:s10] =	ssyncset.done $0x0  }
0xf9: {  	s11 =	rddreg [dreg:$0xc];
	[sflag:s10] =	ssyncadd.s32 $0xFFFFE000  }
0xfa: {  	[hbm4b:s11+s3] =	stream.linear.scatter [tilespmem:s6], [sflag:$0x12], $0x2000, $0x38;
	[tilespmem:$0x1A400] =	vst v63  }
0xfb: {  	_ =	swait.ge [sflag:s12], $0x2000  }
0xfc: {  	[sflag:s12] =	ssyncset.done $0x0  }
0xfd: {  	s21 =	rddreg [dreg:$0xd];
	[sflag:s12] =	ssyncadd.s32 $0xFFFFE000  }
0xfe: {  	[hbm4b:s21+s3] =	stream.linear.scatter [tilespmem:s8], [sflag:$0x13], $0x2000, $0x38;
	[tilespmem:$0x1A400] =	vst v63  }
0xff: {  	_ =	swait.ge [sflag:s14], $0x2000  }
0x100: {  	[sflag:s14] =	ssyncset.done $0x0  }
0x101: {  	s24 =	simm.s32 $0xB;
	s23 =	rddreg [dreg:$0xe];
	[sflag:s14] =	ssyncadd.s32 $0xFFFFE000  }
0x102: {  	[hbm4b:s23+s3] =	stream.linear.scatter [tilespmem:s2], [sflag:$0x14], $0x2000, $0x38;
	[tilespmem:$0x1A400] =	vst v63  }
0x103: {  	_ =	swait.ge [sflag:s24], $0x2000  }
0x104: {  	[sflag:s24] =	ssyncset.done $0x0  }
0x105: {  	s25 =	simm.s32 $0xC;
	[sflag:s24] =	ssyncadd.s32 $0xFFFFE000  }
0x106: {  	_ =	swait.ge [sflag:s25], $0x2000  }
0x107: {  	[sflag:s25] =	ssyncset.done $0x0  }
0x108: {  	s26 =	simm.s32 $0xD;
	[sflag:s25] =	ssyncadd.s32 $0xFFFFE000  }
0x109: {  	_ =	swait.ge [sflag:s26], $0x2000  }
0x10a: {  	[sflag:s26] =	ssyncset.done $0x0  }
0x10b: {  	[sflag:s26] =	ssyncadd.s32 $0xFFFFE000  }
0x10c: {  	_ =	swait.ge [sflag:s13], $0x2000  }
0x10d: {  	[sflag:s13] =	ssyncset.done $0x0  }
0x10e: {  	[sflag:s13] =	ssyncadd.s32 $0xFFFFE000  }
0x10f: {  	_ =	swait.ge [sflag:s15], $0x2000  }
0x110: {  	[sflag:s15] =	ssyncset.done $0x0  }
0x111: {  	[sflag:s15] =	ssyncadd.s32 $0xFFFFE000  }
0x112: {  	_ =	swait.ge [sflag:s4], $0x2000  }
0x113: {  	[sflag:s4] =	ssyncset.done $0x0  }
0x114: {  	[sflag:s4] =	ssyncadd.s32 $0xFFFFE000  }
0x115: {  	_ =	swait.ge [sflag:s17], $0x2000  }
0x116: {  	[sflag:s17] =	ssyncset.done $0x0  }
0x117: {  	[sflag:s17] =	ssyncadd.s32 $0xFFFFE000  }
0x118: {  	_ =	swait.ge [sflag:s16], $0x2000  }
0x119: {  	[sflag:s16] =	ssyncset.done $0x0  }
0x11a: {  	[sflag:s16] =	ssyncadd.s32 $0xFFFFE000  }
0x11b: {  	_ =	swait.ge [sflag:s19], $0x2000  }
0x11c: {  	[sflag:s19] =	ssyncset.done $0x0  }
0x11d: {  	[sflag:s19] =	ssyncadd.s32 $0xFFFFE000  }
0x11e: {  	_ =	swait.ge [sflag:s20], $0x2000  }
0x11f: {  	s29 =	rddreg [dreg:$0x11]  }
0x120: {  	s30 =	rddreg [dreg:$0xf];
	s6 =	sadd.s32 $0x1, s29  }
0x121: {  	p0 =	sne.s32 s6, s30  }
.Ltmp1:
0x122: {  	_ = 	snop;
	(pc) =	sbr.rel @p0 .LBB2_1-.Ltmp1, $4  }
0x123: {  	s5 =	simm.s32 $0xC400;
	s28 =	simm.s32 $0x1;
	s0 =	simm.s32 $0x6400  }
0x124: {  	s7 =	simm.s32 $0x3;
	s9 =	simm.s32 $0x4;
	s10 =	simm.s32 $0x5  }
0x125: {  	s23 =	simm.s32 $0xA400;
	s2 =	simm.s32 $0x2;
	[sflag:s20] =	ssyncset.done $0x0  }
0x126: {  	s25 =	simm.s32 $0x8400;
	s26 =	simm.s32 $0xE400;
	[sflag:s20] =	ssyncadd.s32 $0xFFFFE000  }
0x127: {  	_ =	sfence.sel $0x180000  }
0x128: {  	[bflag:$0x0] =	sbarrier.arrive $0xFFFF  }
0x129: {  	_ =	strace $0x90000047  }
0x12a: {  	s0 =	stileid.u32;
	[bflag:$0x2] =	sbarrier.arrive $0xFFFF  }
0x12b: {  	p0 =	sne.s32 s0, $0x0;
	s0 =	rddreg [dreg:$0x3]  }
0x12c: {  	s0 =	sadd.s32 @!p0 $0x100000, s0  }
0x12d: {  	[sflag:s0] =	ssyncadd.tile.s32 @!p0 $0x1;
	_ =	shalt  }
.Lfunc_end2:
_tile_overlayer_lowered:
.L_overlay_start_2:
0x12e: {  	(tag) =	ssettag $0x2  }
0x12f: {  	s0 =	rddreg [dreg:$0x0];
	s2 =	stileid.u32  }
0x130: {  	s1 =	rddreg [dreg:$0x1];
	p0 =	sne.s32 s2, $0x0  }
0x131: {  	s3 =	rddreg [dreg:$0x2];
	[bflag:$0x3] =	sbarrier.arrive $0xFFFF;
	s2 =	simm.s32 @!p0 $0x1C15  }
0x132: {  	[timem:s3], [sflag:s2] =	dma.local @!p0 [hbm:s0], s1  }
0x133: {  	s0 =	simm.s32 @!p0 $0x15  }
0x134: {  	_ =	swait.ge @!p0 [sflag:s0], s1  }
0x135: {  	s1 =	ssub.s32 @!p0 $0x0, s1;
	[sflag:s0] =	ssyncset.done @!p0 $0x0  }
0x136: {  	[sflag:s0] =	ssyncadd.s32 @!p0 s1  }
0x137: {  	[bflag:$0x3] =	sbarrier.arrive $0xFFFF  }
0x138: {  	_ =	shalt  }

</sc_bundles>
